<compile_context>
chip_gen: v7x
topology: tpu7x:2x2x1
jax: 0.10.2.dev20260603
libtpu: 0.0.44.dev20260713+nightly
codegen_flags: <defaults>
</compile_context>

<pallas_src>
import functools

import jax
import jax.numpy as jnp
from jax import lax
from jax.experimental import pallas as pl
from jax.experimental.pallas import tpu as pltpu
from jax.experimental.pallas import tpu_sc as plsc

HIDDEN = 128
E_DIM = 100000
R_DIM = 1000
B = 256
C = 512
TILE = 2048
NT = (E_DIM + TILE - 1) // TILE

NC = 2
NS = 16
NW = NC * NS
LANES = 128


def _softplus(x):
    return jnp.maximum(x, 0.0) + jnp.log1p(jnp.exp(-jnp.abs(x)))



def _sc_col_body(wdh_t, wdr_t, wdt_t, t0, t1, t2,
                 col_h_o, col_r_o, col_t_o, idx8, rowbuf, sem):
    wid = lax.axis_index("s") * NC + lax.axis_index("c")
    base = wid * (B // NW)

    def one(tab, idx_src, out):
        pltpu.sync_copy(idx_src.at[pl.ds(base, B // NW)], idx8)
        pltpu.async_copy(tab.at[idx8], rowbuf, sem).wait()
        pltpu.sync_copy(rowbuf, out.at[pl.ds(base, B // NW)])

    one(wdh_t, t0, col_h_o)
    one(wdr_t, t1, col_r_o)
    one(wdt_t, t2, col_t_o)


def _sc_col_gather(wdh_t, wdr_t, wdt_t, t0, t1, t2):
    mesh = plsc.VectorSubcoreMesh(core_axis_name="c", subcore_axis_name="s",
                                  num_cores=NC, num_subcores=NS)
    f32 = jnp.float32
    out_type = (
        jax.ShapeDtypeStruct((B, HIDDEN), f32),
        jax.ShapeDtypeStruct((B, HIDDEN), f32),
        jax.ShapeDtypeStruct((B, HIDDEN), f32),
    )
    scratch = [
        pltpu.VMEM((B // NW,), jnp.int32),
        pltpu.VMEM((B // NW, HIDDEN), f32),
        pltpu.SemaphoreType.DMA,
    ]
    fn = pl.kernel(_sc_col_body, out_type=out_type, mesh=mesh,
                   scratch_types=scratch,
                   compiler_params=pltpu.CompilerParams(
                       needs_layout_passes=False))
    return fn(wdh_t, wdr_t, wdt_t, t0, t1, t2)



_CAND_ROWS = B * C // LANES
_CROWS_PER_W = _CAND_ROWS // NW


def _extract_row(buf, lane_v, out_v):
    for c in range(LANES // 16):
        i0 = lax.iota(jnp.int32, 16) + c * 16
        ln = lane_v[pl.ds(c * 16, 16)]
        out_v[pl.ds(c * 16, 16)] = plsc.load_gather(buf, [i0, ln])


_NBUF = 4


def _sc_cand_body(pk2, ridx, lane, pk_o,
                  ridx_v0, ridx_v1, ridx_v2, ridx_v3,
                  lane_v0, lane_v1, lane_v2, lane_v3,
                  rb0, rb1, rb2, rb3, out_v, sem):
    wid = lax.axis_index("s") * NC + lax.axis_index("c")
    base = wid * _CROWS_PER_W
    ridx_vs = (ridx_v0, ridx_v1, ridx_v2, ridx_v3)
    lane_vs = (lane_v0, lane_v1, lane_v2, lane_v3)
    rbs = (rb0, rb1, rb2, rb3)

    def body(g, carry):
        descs = []
        for k in range(_NBUF):
            r = base + g * _NBUF + k
            pltpu.sync_copy(ridx.at[r], ridx_vs[k])
            pltpu.sync_copy(lane.at[r], lane_vs[k])
            descs.append(pltpu.async_copy(pk2.at[ridx_vs[k]], rbs[k], sem))
        for k in range(_NBUF):
            descs[k].wait()
            _extract_row(rbs[k], lane_vs[k], out_v)
            pltpu.sync_copy(out_v, pk_o.at[base + g * _NBUF + k])
        return carry

    lax.fori_loop(0, _CROWS_PER_W // _NBUF, body, None)


def _sc_cand_gather(pk2, ridx, lane):
    mesh = plsc.VectorSubcoreMesh(core_axis_name="c", subcore_axis_name="s",
                                  num_cores=NC, num_subcores=NS)
    f32 = jnp.float32
    out_type = jax.ShapeDtypeStruct((_CAND_ROWS, LANES), f32)
    scratch = (
        [pltpu.VMEM((LANES,), jnp.int32) for _ in range(2 * _NBUF)]
        + [pltpu.VMEM((LANES, LANES), f32) for _ in range(_NBUF)]
        + [pltpu.VMEM((LANES,), f32), pltpu.SemaphoreType.DMA]
    )
    fn = pl.kernel(_sc_cand_body, out_type=out_type, mesh=mesh,
                   scratch_types=scratch,
                   compiler_params=pltpu.CompilerParams(
                       needs_layout_passes=False))
    return fn(pk2, ridx, lane)



def _dense_body(xt_ref, tail_ref, t0_ref, t2_ref, qh_ref, qt_ref,
                wh_ref, bh_ref, wt_ref, bt_ref, dh_ref, dt_ref,
                pk_ref, recon_ref, sums_ref, lh0_ref, lt2_ref):
    i = pl.program_id(0)
    erow = i * TILE + lax.broadcasted_iota(jnp.int32, (TILE, 1), 0)
    vrow = erow < E_DIM

    xt = xt_ref[...]
    tail_row = tail_ref[...]
    is_tail = tail_row > 0.0

    hl = lax.dot_general(wh_ref[...], xt, (((1,), (0,)), ((), ())),
                         preferred_element_type=jnp.float32) + bh_ref[...]
    tl = lax.dot_general(wt_ref[...], xt, (((1,), (0,)), ((), ())),
                         preferred_element_type=jnp.float32) + bt_ref[...]

    sp = jnp.where(vrow, _softplus(hl) + _softplus(tl), 0.0)
    acts_h = jnp.where(vrow, jnp.maximum(hl, 0.0), 0.0)
    acts_t = jnp.where(vrow, jnp.maximum(tl, 0.0), 0.0)

    dhm = jnp.where(vrow, dh_ref[...], 0.0)
    dtm = jnp.where(vrow, dt_ref[...], 0.0)

    recon_tile = (
        lax.dot_general(dhm, acts_h, (((0,), (0,)), ((), ())),
                        preferred_element_type=jnp.float32)
        + lax.dot_general(dtm, acts_t, (((0,), (0,)), ((), ())),
                          preferred_element_type=jnp.float32))

    lh0_tile = jnp.sum(jnp.where(erow == t0_ref[...], hl, 0.0), axis=0,
                      keepdims=True)
    lt2_tile = jnp.sum(jnp.where(erow == t2_ref[...], tl, 0.0), axis=0,
                      keepdims=True)

    qh = qh_ref[...]
    qt = qt_ref[...]
    q = qh + qt
    ones_row = jnp.ones((1, HIDDEN), jnp.float32)
    qn = lax.dot_general(ones_row, q * q, (((1,), (0,)), ((), ())),
                         preferred_element_type=jnp.float32)
    dots = (lax.dot_general(dhm, qh, (((1,), (0,)), ((), ())),
                            preferred_element_type=jnp.float32)
            + lax.dot_general(dtm, qt, (((1,), (0,)), ((), ())),
                              preferred_element_type=jnp.float32))
    ones_col = jnp.ones((HIDDEN, 1), jnp.float32)
    hn = lax.dot_general(dhm * dhm, ones_col, (((1,), (0,)), ((), ())),
                         preferred_element_type=jnp.float32)
    tn = lax.dot_general(dtm * dtm, ones_col, (((1,), (0,)), ((), ())),
                         preferred_element_type=jnp.float32)
    nsel = jnp.where(is_tail, tn, hn)
    dsq = qn - 2.0 * dots + nsel
    sel = jnp.where(is_tail, tl, hl)
    hi = lax.shift_left(
        lax.bitcast_convert_type(dsq.astype(jnp.bfloat16),
                                 jnp.uint16).astype(jnp.uint32),
        jnp.uint32(16))
    lo = lax.bitcast_convert_type(sel.astype(jnp.bfloat16),
                                  jnp.uint16).astype(jnp.uint32)
    pk = lax.bitcast_convert_type(hi | lo, jnp.float32)
    pk_ref[0] = pk[:, :LANES]
    pk_ref[1] = pk[:, LANES:]

    @pl.when(i == 0)
    def _init():
        recon_ref[...] = jnp.zeros_like(recon_ref)
        sums_ref[...] = jnp.zeros_like(sums_ref)
        lh0_ref[...] = jnp.zeros_like(lh0_ref)
        lt2_ref[...] = jnp.zeros_like(lt2_ref)

    recon_ref[...] += recon_tile
    sums_ref[...] += jnp.sum(sp)
    lh0_ref[...] += lh0_tile
    lt2_ref[...] += lt2_tile


def _dense_pass(xt, tail_row, t0r, t2r, qh, qt,
                weh, beh_col, wet, bet_col, wdh, wdt):
    f32 = jnp.float32
    out_shape = (
        jax.ShapeDtypeStruct((2, E_DIM, LANES), f32),
        jax.ShapeDtypeStruct((HIDDEN, B), f32),
        jax.ShapeDtypeStruct((1, 1), f32),
        jax.ShapeDtypeStruct((1, B), f32),
        jax.ShapeDtypeStruct((1, B), f32),
    )
    const = lambda i: (0, 0)
    return pl.pallas_call(
        _dense_body,
        grid=(NT,),
        in_specs=[
            pl.BlockSpec((HIDDEN, B), const),
            pl.BlockSpec((1, B), const),
            pl.BlockSpec((1, B), const),
            pl.BlockSpec((1, B), const),
            pl.BlockSpec((HIDDEN, B), const),
            pl.BlockSpec((HIDDEN, B), const),
            pl.BlockSpec((TILE, HIDDEN), lambda i: (i, 0)),
            pl.BlockSpec((TILE, 1), lambda i: (i, 0)),
            pl.BlockSpec((TILE, HIDDEN), lambda i: (i, 0)),
            pl.BlockSpec((TILE, 1), lambda i: (i, 0)),
            pl.BlockSpec((TILE, HIDDEN), lambda i: (i, 0)),
            pl.BlockSpec((TILE, HIDDEN), lambda i: (i, 0)),
        ],
        out_specs=[
            pl.BlockSpec((2, TILE, LANES), lambda i: (0, i, 0)),
            pl.BlockSpec((HIDDEN, B), const),
            pl.BlockSpec((1, 1), const),
            pl.BlockSpec((1, B), const),
            pl.BlockSpec((1, B), const),
        ],
        out_shape=out_shape,
        compiler_params=pltpu.CompilerParams(
            dimension_semantics=("arbitrary",)),
    )(xt, tail_row, t0r, t2r, qh, qt, weh, beh_col, wet, bet_col, wdh, wdt)



def _combine_body(xt_ref, tail_ref, t1_ref, ent_ref, tgt_ref, pk_ref,
                  lh0_ref, lt2_ref, recon_ref, sums_ref, wer_ref,
                  ber_ref, wdr_ref, bsum_ref, invt_ref, out_ref):
    xt = xt_ref[...]
    tail_row = tail_ref[...]
    is_tail = tail_row > 0.0
    u = lax.bitcast_convert_type(pk_ref[...], jnp.uint32)
    dsq_c = lax.bitcast_convert_type(u & jnp.uint32(0xFFFF0000), jnp.float32)
    sel_c = lax.bitcast_convert_type(lax.shift_left(u, jnp.uint32(16)),
                                     jnp.float32)

    rl = lax.dot_general(wer_ref[...], xt, (((1,), (0,)), ((), ())),
                         preferred_element_type=jnp.float32) + ber_ref[...]
    sp_r = jnp.sum(_softplus(rl))
    riota = lax.broadcasted_iota(jnp.int32, (R_DIM, 1), 0)
    lr1 = jnp.sum(jnp.where(riota == t1_ref[...], rl, 0.0))
    racts = jnp.maximum(rl, 0.0)
    rrecon = lax.dot_general(wdr_ref[...], racts, (((1,), (0,)), ((), ())),
                             preferred_element_type=jnp.float32)

    xr = recon_ref[...] + rrecon + bsum_ref[...]
    diff = xr - xt
    recon_loss = jnp.sum(diff * diff) * (1.0 / (B * HIDDEN))

    sparse_ht = (jnp.sum(jnp.where(is_tail, lh0_ref[...], 0.0))
                 + jnp.sum(jnp.where(is_tail, 0.0, lt2_ref[...]))
                 + jnp.sum(sel_c))
    label_loss = ((sums_ref[...][0, 0] - sparse_ht) * (1.0 / (B * E_DIM))
                  + (sp_r - lr1) * (1.0 / (B * R_DIM)))

    inv_t = jnp.minimum(_softplus(invt_ref[...][0, 0]), 100.0)
    d = jnp.sqrt(jnp.maximum(dsq_c, 0.0) + 1e-12)
    lg = -d * inv_t
    m = jnp.max(lg, axis=1, keepdims=True)
    lse = m + jnp.log(jnp.sum(jnp.exp(lg - m), axis=1, keepdims=True))
    match = ent_ref[...] == tgt_ref[...]
    vm = jnp.max(jnp.where(match, 1.0, 0.0), axis=1, keepdims=True)
    dmin = jnp.min(jnp.where(match, d, 3.0e38), axis=1, keepdims=True)
    loss_b = dmin * inv_t + lse
    kgc_loss = (jnp.sum(jnp.where(vm > 0.0, loss_b, 0.0))
                / (jnp.sum(vm) + 1e-08))

    out_ref[...] = jnp.zeros_like(out_ref) + (recon_loss + label_loss
                                              + kgc_loss)


def _combine(xt, tail_row, t1c, entity_ids, tgt, pk_c, lh0, lt2,
             recon, sums, wer, ber_col, wdr, bsum, invt):
    return pl.pallas_call(
        _combine_body,
        out_shape=jax.ShapeDtypeStruct((1, 1), jnp.float32),
    )(xt, tail_row, t1c, entity_ids, tgt, pk_c, lh0, lt2, recon, sums,
      wer, ber_col, wdr, bsum, invt)




def kernel(x, query_ids, entity_ids, triple_ids, is_predicted_tail,
           W_enc_h_w, W_enc_h_b, W_enc_r_w, W_enc_r_b, W_enc_t_w, W_enc_t_b,
           W_dec_h_w, W_dec_h_b, W_dec_r_w, W_dec_r_b, W_dec_t_w, W_dec_t_b,
           inv_t_param):
    i32 = jnp.int32
    f32 = jnp.float32
    t0 = triple_ids[:, 0].astype(i32)
    t1 = triple_ids[:, 1].astype(i32)
    t2 = triple_ids[:, 2].astype(i32)
    tailf = is_predicted_tail.astype(f32)
    tail_row = tailf[None, :]

    wdh_t = W_dec_h_w.T
    wdr_t = W_dec_r_w.T
    wdt_t = W_dec_t_w.T
    col_h, col_r, col_t = _sc_col_gather(wdh_t, wdr_t, wdt_t, t0, t1, t2)

    q_tail = (col_h + col_r).T
    q_head = (col_t - col_r).T
    qt = jnp.where(tail_row > 0.0, q_tail, 0.0)
    qh = jnp.where(tail_row > 0.0, 0.0, q_head)

    packed, recon, sums, lh0, lt2 = _dense_pass(
        x.T, tail_row, t0[None, :], t2[None, :], qh, qt,
        W_enc_h_w, W_enc_h_b.reshape(-1, 1),
        W_enc_t_w, W_enc_t_b.reshape(-1, 1),
        wdh_t, wdt_t)

    return sums[0, 0] + jnp.sum(recon)
    ridx = ((jnp.arange(B, dtype=i32)[:, None] // LANES) * E_DIM
            + entity_ids.astype(i32)).reshape(_CAND_ROWS, LANES)
    lane = jnp.broadcast_to(
        (jnp.arange(B, dtype=i32) % LANES)[:, None], (B, C)
    ).reshape(_CAND_ROWS, LANES)
    pk_c = _sc_cand_gather(packed.reshape(2 * E_DIM, LANES), ridx, lane)
    pk_c = pk_c.reshape(B, C)

    tgt = jnp.where(is_predicted_tail, t2, t0)[:, None]
    bsum = (W_dec_h_b + W_dec_r_b + W_dec_t_b).reshape(HIDDEN, 1)

    out = _combine(x.T, tail_row, t1[None, :], entity_ids.astype(i32), tgt,
                   pk_c, lh0, lt2, recon, sums,
                   W_enc_r_w, W_enc_r_b.reshape(-1, 1), W_dec_r_w, bsum,
                   inv_t_param.reshape(1, 1))
    return out[0, 0]

# --- scband reference (transcript-rebuilt; emitter-appended) ---
"""Pipeline reference for scband-kg-extract-80977313399395 (READ-ONLY COPY).

The authoritative reference and input builder live on the scoring server;
editing this copy changes nothing except your own understanding.
"""

import jax, jax.numpy as jnp
import numpy as np

HIDDEN = 128
E_DIM = 100000
R_DIM = 1000
B = 256
C = 512


def _linear_init(key, out_dim, in_dim):
    k1, k2 = jax.random.split(key)
    bound = 1.0 / np.sqrt(in_dim)
    w = jax.random.uniform(k1, (out_dim, in_dim), jnp.float32, -bound, bound)
    b = jax.random.uniform(k2, (out_dim,), jnp.float32, -bound, bound)
    return w, b


def setup_inputs(seed: int = 0):
    key = jax.random.key(seed)
    ks = jax.random.split(key, 12)
    inp = {}
    inp["x"] = jax.random.normal(ks[0], (B, HIDDEN), jnp.float32)
    inp["query_ids"] = jax.random.randint(ks[1], (B,), 0, E_DIM)
    inp["entity_ids"] = jax.random.randint(ks[2], (B, C), 0, E_DIM)
    inp["triple_ids"] = jax.random.randint(ks[3], (B, 3), 0, R_DIM)
    inp["is_predicted_tail"] = jax.random.randint(ks[4], (B,), 0, 2).astype(bool)
    inp["W_enc_h_w"], inp["W_enc_h_b"] = _linear_init(ks[5], E_DIM, HIDDEN)
    inp["W_enc_r_w"], inp["W_enc_r_b"] = _linear_init(ks[6], R_DIM, HIDDEN)
    inp["W_enc_t_w"], inp["W_enc_t_b"] = _linear_init(ks[7], E_DIM, HIDDEN)
    inp["W_dec_h_w"], inp["W_dec_h_b"] = _linear_init(ks[8], HIDDEN, E_DIM)
    inp["W_dec_r_w"], inp["W_dec_r_b"] = _linear_init(ks[9], HIDDEN, R_DIM)
    inp["W_dec_t_w"], inp["W_dec_t_b"] = _linear_init(ks[10], HIDDEN, E_DIM)
    # tau=0.05 -> init_val = 1/tau = 20.0 >= 20.0 branch -> param initialized to 20.0
    inp["inv_t_param"] = jnp.asarray(20.0, jnp.float32)
    return inp


def _bce(logits, targets):
    # numerically-stable binary_cross_entropy_with_logits, mean reduction
    return jnp.mean(jnp.maximum(logits, 0.0) - logits * targets + jnp.log1p(jnp.exp(-jnp.abs(logits))))


def _forward(x, W_enc_h_w, W_enc_h_b, W_enc_r_w, W_enc_r_b, W_enc_t_w, W_enc_t_b,
             W_dec_h_w, W_dec_h_b, W_dec_r_w, W_dec_r_b, W_dec_t_w, W_dec_t_b,
             inv_t_param, entity_ids, triple_ids, is_predicted_tail):
    h_logits = x @ W_enc_h_w.T + W_enc_h_b
    r_logits = x @ W_enc_r_w.T + W_enc_r_b
    t_logits = x @ W_enc_t_w.T + W_enc_t_b
    h_acts = jax.nn.relu(h_logits)
    r_acts = jax.nn.relu(r_logits)
    t_acts = jax.nn.relu(t_logits)
    h_recon = h_acts @ W_dec_h_w.T + W_dec_h_b
    r_recon = r_acts @ W_dec_r_w.T + W_dec_r_b
    t_recon = t_acts @ W_dec_t_w.T + W_dec_t_b
    x_reconstruct = h_recon + r_recon + t_recon
    reconstruction_loss = jnp.mean((x_reconstruct - x) ** 2)

    # label loss
    h_target = jax.nn.one_hot(triple_ids[:, 0], E_DIM, dtype=jnp.float32)
    r_target = jax.nn.one_hot(triple_ids[:, 1], R_DIM, dtype=jnp.float32)
    t_target = jax.nn.one_hot(triple_ids[:, 2], E_DIM, dtype=jnp.float32)
    rows = jnp.arange(B)[:, None]
    cand_target = jnp.zeros((B, E_DIM), jnp.float32).at[rows, entity_ids].set(1.0)
    is_tail = is_predicted_tail[:, None]
    final_h_target = jnp.where(is_tail, h_target, cand_target)
    final_t_target = jnp.where(is_tail, cand_target, t_target)
    label_loss = _bce(h_logits, final_h_target) + _bce(r_logits, r_target) + _bce(t_logits, final_t_target)

    # kgc loss
    D_H = W_dec_h_w.T
    D_R = W_dec_r_w.T
    D_T = W_dec_t_w.T
    h_fixed = D_H[triple_ids[:, 0]]
    r_fixed = D_R[triple_ids[:, 1]]
    t_fixed = D_T[triple_ids[:, 2]]
    cand_H = D_H[entity_ids]
    cand_T = D_T[entity_ids]
    q_tail = (h_fixed + r_fixed)[:, None, :]
    d_tail = jnp.sqrt(jnp.sum((q_tail - cand_T) ** 2, axis=2) + 1e-12)
    q_head = (t_fixed - r_fixed)[:, None, :]
    d_head = jnp.sqrt(jnp.sum((cand_H - q_head) ** 2, axis=2) + 1e-12)
    distances = jnp.where(is_tail, d_tail, d_head)
    target_entity = jnp.where(is_predicted_tail, triple_ids[:, 2], triple_ids[:, 0])
    matches = entity_ids == target_entity[:, None]
    valid_mask = matches.any(axis=1)
    labels = jnp.argmax(matches.astype(jnp.int32), axis=1)
    inv_t = jnp.minimum(jax.nn.softplus(inv_t_param), 100.0)
    logits = -distances * inv_t
    logp = jax.nn.log_softmax(logits, axis=1)
    loss_per_sample = -jnp.take_along_axis(logp, labels[:, None], axis=1)[:, 0]
    vm = valid_mask.astype(jnp.float32)
    kgc_loss = jnp.sum(loss_per_sample * vm) / (jnp.sum(vm) + 1e-08)

    return reconstruction_loss + label_loss + kgc_loss


def reference(x, query_ids, entity_ids, triple_ids, is_predicted_tail,
              W_enc_h_w, W_enc_h_b, W_enc_r_w, W_enc_r_b, W_enc_t_w, W_enc_t_b,
              W_dec_h_w, W_dec_h_b, W_dec_r_w, W_dec_r_b, W_dec_t_w, W_dec_t_b,
              inv_t_param):
    # query_ids is accepted by the original forward signature but unused
    return _forward(x, W_enc_h_w, W_enc_h_b, W_enc_r_w, W_enc_r_b, W_enc_t_w, W_enc_t_b,
                    W_dec_h_w, W_dec_h_b, W_dec_r_w, W_dec_r_b, W_dec_t_w, W_dec_t_b,
                    inv_t_param, entity_ids, triple_ids, is_predicted_tail)

if __name__ == "__main__":
    import jax
    _d = setup_inputs()
    print(jax.jit(kernel)(*tuple(_d.values())))

</pallas_src>

<mosaic_0001>
#map = affine_map<(d0, d1) -> (0, 0)>
#map1 = affine_map<(d0, d1) -> (0)>
module attributes {stable_mosaic.version = 14 : i64} {
  func.func @_sc_col_body(%arg0: i32, %arg1: i32, %arg2: memref<100000x128xf32, #tpu.memory_space<hbm>>, %arg3: memref<1000x128xf32, #tpu.memory_space<hbm>>, %arg4: memref<100000x128xf32, #tpu.memory_space<hbm>>, %arg5: memref<256xi32, #tpu.memory_space<hbm>>, %arg6: memref<256xi32, #tpu.memory_space<hbm>>, %arg7: memref<256xi32, #tpu.memory_space<hbm>>, %arg8: memref<256x128xf32, #tpu.memory_space<hbm>>, %arg9: memref<256x128xf32, #tpu.memory_space<hbm>>, %arg10: memref<256x128xf32, #tpu.memory_space<hbm>>, %arg11: memref<8xi32, #tpu.memory_space<vmem>>, %arg12: memref<8x128xf32, #tpu.memory_space<vmem>>, %arg13: memref<!tpu.dma_semaphore, #tpu.memory_space<semaphore_mem>>) attributes {dimension_semantics = [#tpu.dimension_semantics<core_parallel>, #tpu.dimension_semantics<subcore_parallel>], iteration_bounds = array<i64: 2, 16>, scalar_prefetch = 0 : i64, scratch_operands = 3 : i64, tpu.core_type = #tpu.core_type<sc_vector_subcore>, window_params = [{transform_indices = #map}, {transform_indices = #map}, {transform_indices = #map}, {transform_indices = #map1}, {transform_indices = #map1}, {transform_indices = #map1}, {transform_indices = #map}, {transform_indices = #map}, {transform_indices = #map}]} {
    %mul3A = arith.constant 2 : i32
    %mul3A_0 = arith.muli %arg1, %mul3A : i32
    %add3A = arith.addi %mul3A_0, %arg0 : i32
    %mul3A_1 = arith.constant 8 : i32
    %mul3A_2 = arith.muli %add3A, %mul3A_1 : i32
    "tpu.region"() ({
      %run_scoped3A = tpu.sem_alloc : memref<!tpu.dma_semaphore, #tpu.memory_space<semaphore_mem>>
      %dma_start3A_19 = tpu.memref_slice %arg5[%mul3A_2] : memref<256xi32, #tpu.memory_space<hbm>> -> memref<8xi32, #tpu.memory_space<hbm>>
      %dma_start3A_20 = tpu.memref_slice %arg5[%mul3A_2] : memref<256xi32, #tpu.memory_space<hbm>> -> memref<8xi32, #tpu.memory_space<hbm>>
      tpu.enqueue_dma source(%dma_start3A_20 : memref<8xi32, #tpu.memory_space<hbm>>) target(%arg11 : memref<8xi32, #tpu.memory_space<vmem>>) target_semaphore(%run_scoped3A : memref<!tpu.dma_semaphore, #tpu.memory_space<semaphore_mem>>)
      %dma_wait3A_21 = tpu.memref_slice %arg5[%mul3A_2] : memref<256xi32, #tpu.memory_space<hbm>> -> memref<8xi32, #tpu.memory_space<hbm>>
      %dma_wait3A_22 = tpu.memref_slice %arg5[%mul3A_2] : memref<256xi32, #tpu.memory_space<hbm>> -> memref<8xi32, #tpu.memory_space<hbm>>
      tpu.wait_dma2 semaphore(%run_scoped3A : memref<!tpu.dma_semaphore, #tpu.memory_space<semaphore_mem>>) src(%dma_wait3A_22 : memref<8xi32, #tpu.memory_space<hbm>>) dst(%arg11 : memref<8xi32, #tpu.memory_space<vmem>>)
      tpu.yield
    }) : () -> ()
    %dma_start3A = arith.constant 0 : i32
    %dma_start3A_3 = arith.constant 0 : i32
    %dma_start3A_4 = tpu.memref_slice %arg2[%dma_start3A, %dma_start3A_3] : memref<100000x128xf32, #tpu.memory_space<hbm>> -> memref<100000x128xf32, #tpu.memory_space<hbm>>
    tpu.enqueue_indirect_dma source(%dma_start3A_4 : memref<100000x128xf32, #tpu.memory_space<hbm>>) target(%arg12 : memref<8x128xf32, #tpu.memory_space<vmem>>) offsets(%arg11 : memref<8xi32, #tpu.memory_space<vmem>>) semaphore(%arg13 : memref<!tpu.dma_semaphore, #tpu.memory_space<semaphore_mem>>)
    %dma_wait3A = arith.constant 0 : i32
    %dma_wait3A_5 = arith.constant 0 : i32
    %dma_wait3A_6 = tpu.memref_slice %arg2[%dma_wait3A, %dma_wait3A_5] : memref<100000x128xf32, #tpu.memory_space<hbm>> -> memref<100000x128xf32, #tpu.memory_space<hbm>>
    tpu.wait_indirect_dma semaphore(%arg13 : memref<!tpu.dma_semaphore, #tpu.memory_space<semaphore_mem>>) src(%dma_wait3A_6 : memref<100000x128xf32, #tpu.memory_space<hbm>>) dst(%arg12 : memref<8x128xf32, #tpu.memory_space<vmem>>)
    "tpu.region"() ({
      %run_scoped3A = tpu.sem_alloc : memref<!tpu.dma_semaphore, #tpu.memory_space<semaphore_mem>>
      %dma_start3A_19 = arith.constant 0 : i32
      %dma_start3A_20 = tpu.memref_slice %arg8[%mul3A_2, %dma_start3A_19] : memref<256x128xf32, #tpu.memory_space<hbm>> -> memref<8x128xf32, #tpu.memory_space<hbm>>
      %dma_start3A_21 = arith.constant 0 : i32
      %dma_start3A_22 = tpu.memref_slice %arg8[%mul3A_2, %dma_start3A_21] : memref<256x128xf32, #tpu.memory_space<hbm>> -> memref<8x128xf32, #tpu.memory_space<hbm>>
      tpu.enqueue_dma source(%arg12 : memref<8x128xf32, #tpu.memory_space<vmem>>) target(%dma_start3A_22 : memref<8x128xf32, #tpu.memory_space<hbm>>) target_semaphore(%run_scoped3A : memref<!tpu.dma_semaphore, #tpu.memory_space<semaphore_mem>>)
      %dma_wait3A_23 = arith.constant 0 : i32
      %dma_wait3A_24 = tpu.memref_slice %arg8[%mul3A_2, %dma_wait3A_23] : memref<256x128xf32, #tpu.memory_space<hbm>> -> memref<8x128xf32, #tpu.memory_space<hbm>>
      %dma_wait3A_25 = arith.constant 0 : i32
      %dma_wait3A_26 = tpu.memref_slice %arg8[%mul3A_2, %dma_wait3A_25] : memref<256x128xf32, #tpu.memory_space<hbm>> -> memref<8x128xf32, #tpu.memory_space<hbm>>
      tpu.wait_dma2 semaphore(%run_scoped3A : memref<!tpu.dma_semaphore, #tpu.memory_space<semaphore_mem>>) src(%arg12 : memref<8x128xf32, #tpu.memory_space<vmem>>) dst(%dma_wait3A_26 : memref<8x128xf32, #tpu.memory_space<hbm>>)
      tpu.yield
    }) : () -> ()
    "tpu.region"() ({
      %run_scoped3A = tpu.sem_alloc : memref<!tpu.dma_semaphore, #tpu.memory_space<semaphore_mem>>
      %dma_start3A_19 = tpu.memref_slice %arg6[%mul3A_2] : memref<256xi32, #tpu.memory_space<hbm>> -> memref<8xi32, #tpu.memory_space<hbm>>
      %dma_start3A_20 = tpu.memref_slice %arg6[%mul3A_2] : memref<256xi32, #tpu.memory_space<hbm>> -> memref<8xi32, #tpu.memory_space<hbm>>
      tpu.enqueue_dma source(%dma_start3A_20 : memref<8xi32, #tpu.memory_space<hbm>>) target(%arg11 : memref<8xi32, #tpu.memory_space<vmem>>) target_semaphore(%run_scoped3A : memref<!tpu.dma_semaphore, #tpu.memory_space<semaphore_mem>>)
      %dma_wait3A_21 = tpu.memref_slice %arg6[%mul3A_2] : memref<256xi32, #tpu.memory_space<hbm>> -> memref<8xi32, #tpu.memory_space<hbm>>
      %dma_wait3A_22 = tpu.memref_slice %arg6[%mul3A_2] : memref<256xi32, #tpu.memory_space<hbm>> -> memref<8xi32, #tpu.memory_space<hbm>>
      tpu.wait_dma2 semaphore(%run_scoped3A : memref<!tpu.dma_semaphore, #tpu.memory_space<semaphore_mem>>) src(%dma_wait3A_22 : memref<8xi32, #tpu.memory_space<hbm>>) dst(%arg11 : memref<8xi32, #tpu.memory_space<vmem>>)
      tpu.yield
    }) : () -> ()
    %dma_start3A_7 = arith.constant 0 : i32
    %dma_start3A_8 = arith.constant 0 : i32
    %dma_start3A_9 = tpu.memref_slice %arg3[%dma_start3A_7, %dma_start3A_8] : memref<1000x128xf32, #tpu.memory_space<hbm>> -> memref<1000x128xf32, #tpu.memory_space<hbm>>
    tpu.enqueue_indirect_dma source(%dma_start3A_9 : memref<1000x128xf32, #tpu.memory_space<hbm>>) target(%arg12 : memref<8x128xf32, #tpu.memory_space<vmem>>) offsets(%arg11 : memref<8xi32, #tpu.memory_space<vmem>>) semaphore(%arg13 : memref<!tpu.dma_semaphore, #tpu.memory_space<semaphore_mem>>)
    %dma_wait3A_10 = arith.constant 0 : i32
    %dma_wait3A_11 = arith.constant 0 : i32
    %dma_wait3A_12 = tpu.memref_slice %arg3[%dma_wait3A_10, %dma_wait3A_11] : memref<1000x128xf32, #tpu.memory_space<hbm>> -> memref<1000x128xf32, #tpu.memory_space<hbm>>
    tpu.wait_indirect_dma semaphore(%arg13 : memref<!tpu.dma_semaphore, #tpu.memory_space<semaphore_mem>>) src(%dma_wait3A_12 : memref<1000x128xf32, #tpu.memory_space<hbm>>) dst(%arg12 : memref<8x128xf32, #tpu.memory_space<vmem>>)
    "tpu.region"() ({
      %run_scoped3A = tpu.sem_alloc : memref<!tpu.dma_semaphore, #tpu.memory_space<semaphore_mem>>
      %dma_start3A_19 = arith.constant 0 : i32
      %dma_start3A_20 = tpu.memref_slice %arg9[%mul3A_2, %dma_start3A_19] : memref<256x128xf32, #tpu.memory_space<hbm>> -> memref<8x128xf32, #tpu.memory_space<hbm>>
      %dma_start3A_21 = arith.constant 0 : i32
      %dma_start3A_22 = tpu.memref_slice %arg9[%mul3A_2, %dma_start3A_21] : memref<256x128xf32, #tpu.memory_space<hbm>> -> memref<8x128xf32, #tpu.memory_space<hbm>>
      tpu.enqueue_dma source(%arg12 : memref<8x128xf32, #tpu.memory_space<vmem>>) target(%dma_start3A_22 : memref<8x128xf32, #tpu.memory_space<hbm>>) target_semaphore(%run_scoped3A : memref<!tpu.dma_semaphore, #tpu.memory_space<semaphore_mem>>)
      %dma_wait3A_23 = arith.constant 0 : i32
      %dma_wait3A_24 = tpu.memref_slice %arg9[%mul3A_2, %dma_wait3A_23] : memref<256x128xf32, #tpu.memory_space<hbm>> -> memref<8x128xf32, #tpu.memory_space<hbm>>
      %dma_wait3A_25 = arith.constant 0 : i32
      %dma_wait3A_26 = tpu.memref_slice %arg9[%mul3A_2, %dma_wait3A_25] : memref<256x128xf32, #tpu.memory_space<hbm>> -> memref<8x128xf32, #tpu.memory_space<hbm>>
      tpu.wait_dma2 semaphore(%run_scoped3A : memref<!tpu.dma_semaphore, #tpu.memory_space<semaphore_mem>>) src(%arg12 : memref<8x128xf32, #tpu.memory_space<vmem>>) dst(%dma_wait3A_26 : memref<8x128xf32, #tpu.memory_space<hbm>>)
      tpu.yield
    }) : () -> ()
    "tpu.region"() ({
      %run_scoped3A = tpu.sem_alloc : memref<!tpu.dma_semaphore, #tpu.memory_space<semaphore_mem>>
      %dma_start3A_19 = tpu.memref_slice %arg7[%mul3A_2] : memref<256xi32, #tpu.memory_space<hbm>> -> memref<8xi32, #tpu.memory_space<hbm>>
      %dma_start3A_20 = tpu.memref_slice %arg7[%mul3A_2] : memref<256xi32, #tpu.memory_space<hbm>> -> memref<8xi32, #tpu.memory_space<hbm>>
      tpu.enqueue_dma source(%dma_start3A_20 : memref<8xi32, #tpu.memory_space<hbm>>) target(%arg11 : memref<8xi32, #tpu.memory_space<vmem>>) target_semaphore(%run_scoped3A : memref<!tpu.dma_semaphore, #tpu.memory_space<semaphore_mem>>)
      %dma_wait3A_21 = tpu.memref_slice %arg7[%mul3A_2] : memref<256xi32, #tpu.memory_space<hbm>> -> memref<8xi32, #tpu.memory_space<hbm>>
      %dma_wait3A_22 = tpu.memref_slice %arg7[%mul3A_2] : memref<256xi32, #tpu.memory_space<hbm>> -> memref<8xi32, #tpu.memory_space<hbm>>
      tpu.wait_dma2 semaphore(%run_scoped3A : memref<!tpu.dma_semaphore, #tpu.memory_space<semaphore_mem>>) src(%dma_wait3A_22 : memref<8xi32, #tpu.memory_space<hbm>>) dst(%arg11 : memref<8xi32, #tpu.memory_space<vmem>>)
      tpu.yield
    }) : () -> ()
    %dma_start3A_13 = arith.constant 0 : i32
    %dma_start3A_14 = arith.constant 0 : i32
    %dma_start3A_15 = tpu.memref_slice %arg4[%dma_start3A_13, %dma_start3A_14] : memref<100000x128xf32, #tpu.memory_space<hbm>> -> memref<100000x128xf32, #tpu.memory_space<hbm>>
    tpu.enqueue_indirect_dma source(%dma_start3A_15 : memref<100000x128xf32, #tpu.memory_space<hbm>>) target(%arg12 : memref<8x128xf32, #tpu.memory_space<vmem>>) offsets(%arg11 : memref<8xi32, #tpu.memory_space<vmem>>) semaphore(%arg13 : memref<!tpu.dma_semaphore, #tpu.memory_space<semaphore_mem>>)
    %dma_wait3A_16 = arith.constant 0 : i32
    %dma_wait3A_17 = arith.constant 0 : i32
    %dma_wait3A_18 = tpu.memref_slice %arg4[%dma_wait3A_16, %dma_wait3A_17] : memref<100000x128xf32, #tpu.memory_space<hbm>> -> memref<100000x128xf32, #tpu.memory_space<hbm>>
    tpu.wait_indirect_dma semaphore(%arg13 : memref<!tpu.dma_semaphore, #tpu.memory_space<semaphore_mem>>) src(%dma_wait3A_18 : memref<100000x128xf32, #tpu.memory_space<hbm>>) dst(%arg12 : memref<8x128xf32, #tpu.memory_space<vmem>>)
    "tpu.region"() ({
      %run_scoped3A = tpu.sem_alloc : memref<!tpu.dma_semaphore, #tpu.memory_space<semaphore_mem>>
      %dma_start3A_19 = arith.constant 0 : i32
      %dma_start3A_20 = tpu.memref_slice %arg10[%mul3A_2, %dma_start3A_19] : memref<256x128xf32, #tpu.memory_space<hbm>> -> memref<8x128xf32, #tpu.memory_space<hbm>>
      %dma_start3A_21 = arith.constant 0 : i32
      %dma_start3A_22 = tpu.memref_slice %arg10[%mul3A_2, %dma_start3A_21] : memref<256x128xf32, #tpu.memory_space<hbm>> -> memref<8x128xf32, #tpu.memory_space<hbm>>
      tpu.enqueue_dma source(%arg12 : memref<8x128xf32, #tpu.memory_space<vmem>>) target(%dma_start3A_22 : memref<8x128xf32, #tpu.memory_space<hbm>>) target_semaphore(%run_scoped3A : memref<!tpu.dma_semaphore, #tpu.memory_space<semaphore_mem>>)
      %dma_wait3A_23 = arith.constant 0 : i32
      %dma_wait3A_24 = tpu.memref_slice %arg10[%mul3A_2, %dma_wait3A_23] : memref<256x128xf32, #tpu.memory_space<hbm>> -> memref<8x128xf32, #tpu.memory_space<hbm>>
      %dma_wait3A_25 = arith.constant 0 : i32
      %dma_wait3A_26 = tpu.memref_slice %arg10[%mul3A_2, %dma_wait3A_25] : memref<256x128xf32, #tpu.memory_space<hbm>> -> memref<8x128xf32, #tpu.memory_space<hbm>>
      tpu.wait_dma2 semaphore(%run_scoped3A : memref<!tpu.dma_semaphore, #tpu.memory_space<semaphore_mem>>) src(%arg12 : memref<8x128xf32, #tpu.memory_space<vmem>>) dst(%dma_wait3A_26 : memref<8x128xf32, #tpu.memory_space<hbm>>)
      tpu.yield
    }) : () -> ()
    return
  }
}

module attributes {stable_mosaic.version = 14 : i64} {
  func.func @_dense_body(%arg0: i32, %arg1: memref<128x256xf32, #tpu.memory_space<vmem>>, %arg2: memref<1x256xf32, #tpu.memory_space<vmem>>, %arg3: memref<1x256xi32, #tpu.memory_space<vmem>>, %arg4: memref<1x256xi32, #tpu.memory_space<vmem>>, %arg5: memref<128x256xf32, #tpu.memory_space<vmem>>, %arg6: memref<128x256xf32, #tpu.memory_space<vmem>>, %arg7: memref<2048x128xf32, #tpu.memory_space<vmem>>, %arg8: memref<2048x1xf32, #tpu.memory_space<vmem>>, %arg9: memref<2048x128xf32, #tpu.memory_space<vmem>>, %arg10: memref<2048x1xf32, #tpu.memory_space<vmem>>, %arg11: memref<2048x128xf32, #tpu.memory_space<vmem>>, %arg12: memref<2048x128xf32, #tpu.memory_space<vmem>>, %arg13: memref<2x2048x128xf32, #tpu.memory_space<vmem>>, %arg14: memref<128x256xf32, #tpu.memory_space<vmem>>, %arg15: memref<1x1xf32, #tpu.memory_space<vmem>>, %arg16: memref<1x256xf32, #tpu.memory_space<vmem>>, %arg17: memref<1x256xf32, #tpu.memory_space<vmem>>) attributes {dimension_semantics = [#tpu.dimension_semantics<arbitrary>], iteration_bounds = array<i64: 49>, scalar_prefetch = 0 : i64, scratch_operands = 0 : i64, tpu.core_type = #tpu.core_type<tc>, window_params = [{pipeline_mode = #tpu.pipeline_mode<synchronous>, transform_indices = @transform_0, window_bounds = array<i64: 128, 256>}, {pipeline_mode = #tpu.pipeline_mode<synchronous>, transform_indices = @transform_1, window_bounds = array<i64: 1, 256>}, {pipeline_mode = #tpu.pipeline_mode<synchronous>, transform_indices = @transform_2, window_bounds = array<i64: 1, 256>}, {pipeline_mode = #tpu.pipeline_mode<synchronous>, transform_indices = @transform_3, window_bounds = array<i64: 1, 256>}, {pipeline_mode = #tpu.pipeline_mode<synchronous>, transform_indices = @transform_4, window_bounds = array<i64: 128, 256>}, {pipeline_mode = #tpu.pipeline_mode<synchronous>, transform_indices = @transform_5, window_bounds = array<i64: 128, 256>}, {transform_indices = @transform_6, window_bounds = array<i64: 2048, 128>}, {transform_indices = @transform_7, window_bounds = array<i64: 2048, 1>}, {transform_indices = @transform_8, window_bounds = array<i64: 2048, 128>}, {transform_indices = @transform_9, window_bounds = array<i64: 2048, 1>}, {transform_indices = @transform_10, window_bounds = array<i64: 2048, 128>}, {transform_indices = @transform_11, window_bounds = array<i64: 2048, 128>}, {transform_indices = @transform_12, window_bounds = array<i64: 2, 2048, 128>}, {pipeline_mode = #tpu.pipeline_mode<synchronous>, transform_indices = @transform_13, window_bounds = array<i64: 128, 256>}, {pipeline_mode = #tpu.pipeline_mode<synchronous>, transform_indices = @transform_14, window_bounds = array<i64: 1, 1>}, {pipeline_mode = #tpu.pipeline_mode<synchronous>, transform_indices = @transform_15, window_bounds = array<i64: 1, 256>}, {pipeline_mode = #tpu.pipeline_mode<synchronous>, transform_indices = @transform_16, window_bounds = array<i64: 1, 256>}]} {
    %mul3A = arith.constant 2048 : i32
    %mul3A_0 = arith.muli %arg0, %mul3A : i32
    %iota3A = tpu.iota {dimensions = array<i32: 0>} : vector<2048x1xi32>
    %add3A = vector.broadcast %mul3A_0 : i32 to vector<2048x1xi32>
    %add3A_1 = arith.addi %add3A, %iota3A : vector<2048x1xi32>
    %lt3A = arith.constant 100000 : i32
    %lt3A_2 = vector.broadcast %lt3A : i32 to vector<2048x1xi32>
    %lt3A_3 = arith.cmpi slt, %add3A_1, %lt3A_2 : vector<2048x1xi32>
    %get3A = arith.constant 0 : index
    %get3A_4 = arith.constant 0 : index
    %get3A_5 = vector.load %arg1[%get3A, %get3A_4] : memref<128x256xf32, #tpu.memory_space<vmem>>, vector<128x256xf32>
    %get3A_6 = arith.constant 0 : index
    %get3A_7 = arith.constant 0 : index
    %get3A_8 = vector.load %arg2[%get3A_6, %get3A_7] : memref<1x256xf32, #tpu.memory_space<vmem>>, vector<1x256xf32>
    %gt3A = arith.constant 0.000000e+00 : f32
    %gt3A_9 = vector.broadcast %gt3A : f32 to vector<1x256xf32>
    %gt3A_10 = arith.cmpf ogt, %get3A_8, %gt3A_9 : vector<1x256xf32>
    %get3A_11 = arith.constant 0 : index
    %get3A_12 = arith.constant 0 : index
    %get3A_13 = vector.load %arg7[%get3A_11, %get3A_12] : memref<2048x128xf32, #tpu.memory_space<vmem>>, vector<2048x128xf32>
    %dot_general3A = arith.constant dense<0.000000e+00> : vector<2048x256xf32>
    %dot_general3A_14 = tpu.matmul %get3A_13, %get3A_5, %dot_general3A {dimension_numbers = #tpu.dot_dimension_numbers<[1], [0], [0], [1], [0, 0, 1, 1], [], []>, transpose_lhs_hint = false} : vector<2048x128xf32>, vector<128x256xf32>, vector<2048x256xf32> -> vector<2048x256xf32>
    %get3A_15 = arith.constant 0 : index
    %get3A_16 = arith.constant 0 : index
    %get3A_17 = vector.load %arg8[%get3A_15, %get3A_16] : memref<2048x1xf32, #tpu.memory_space<vmem>>, vector<2048x1xf32>
    %add3A_18 = vector.broadcast %get3A_17 : vector<2048x1xf32> to vector<2048x256xf32>
    %add3A_19 = arith.addf %dot_general3A_14, %add3A_18 : vector<2048x256xf32>
    %get3A_20 = arith.constant 0 : index
    %get3A_21 = arith.constant 0 : index
    %get3A_22 = vector.load %arg9[%get3A_20, %get3A_21] : memref<2048x128xf32, #tpu.memory_space<vmem>>, vector<2048x128xf32>
    %dot_general3A_23 = arith.constant dense<0.000000e+00> : vector<2048x256xf32>
    %dot_general3A_24 = tpu.matmul %get3A_22, %get3A_5, %dot_general3A_23 {dimension_numbers = #tpu.dot_dimension_numbers<[1], [0], [0], [1], [0, 0, 1, 1], [], []>, transpose_lhs_hint = false} : vector<2048x128xf32>, vector<128x256xf32>, vector<2048x256xf32> -> vector<2048x256xf32>
    %get3A_25 = arith.constant 0 : index
    %get3A_26 = arith.constant 0 : index
    %get3A_27 = vector.load %arg10[%get3A_25, %get3A_26] : memref<2048x1xf32, #tpu.memory_space<vmem>>, vector<2048x1xf32>
    %add3A_28 = vector.broadcast %get3A_27 : vector<2048x1xf32> to vector<2048x256xf32>
    %add3A_29 = arith.addf %dot_general3A_24, %add3A_28 : vector<2048x256xf32>
    %max3A = arith.constant 0.000000e+00 : f32
    %max3A_30 = vector.broadcast %max3A : f32 to vector<2048x256xf32>
    %max3A_31 = arith.maximumf %add3A_19, %max3A_30 : vector<2048x256xf32>
    %abs3A = math.absf %add3A_19 : vector<2048x256xf32>
    %neg3A = arith.constant 0.000000e+00 : f32
    %neg3A_32 = vector.broadcast %neg3A : f32 to vector<2048x256xf32>
    %neg3A_33 = arith.subf %neg3A_32, %abs3A : vector<2048x256xf32>
    %exp3A = math.exp %neg3A_33 : vector<2048x256xf32>
    %log1p3A = math.log1p %exp3A : vector<2048x256xf32>
    %add3A_34 = arith.addf %max3A_31, %log1p3A : vector<2048x256xf32>
    %max3A_35 = arith.constant 0.000000e+00 : f32
    %max3A_36 = vector.broadcast %max3A_35 : f32 to vector<2048x256xf32>
    %max3A_37 = arith.maximumf %add3A_29, %max3A_36 : vector<2048x256xf32>
    %abs3A_38 = math.absf %add3A_29 : vector<2048x256xf32>
    %neg3A_39 = arith.constant 0.000000e+00 : f32
    %neg3A_40 = vector.broadcast %neg3A_39 : f32 to vector<2048x256xf32>
    %neg3A_41 = arith.subf %neg3A_40, %abs3A_38 : vector<2048x256xf32>
    %exp3A_42 = math.exp %neg3A_41 : vector<2048x256xf32>
    %log1p3A_43 = math.log1p %exp3A_42 : vector<2048x256xf32>
    %add3A_44 = arith.addf %max3A_37, %log1p3A_43 : vector<2048x256xf32>
    %add3A_45 = arith.addf %add3A_34, %add3A_44 : vector<2048x256xf32>
    %jit3A = arith.constant 0.000000e+00 : f32
    %broadcast_in_dim3A = vector.shape_cast %lt3A_3 : vector<2048x1xi1> to vector<2048x1xi1>
    %broadcast_in_dim3A_46 = vector.broadcast %broadcast_in_dim3A : vector<2048x1xi1> to vector<2048x256xi1>
    %broadcast_in_dim3A_47 = vector.broadcast %jit3A : f32 to vector<2048x256xf32>
    %select_n3A = arith.select %broadcast_in_dim3A_46, %add3A_45, %broadcast_in_dim3A_47 : vector<2048x256xi1>, vector<2048x256xf32>
    %max3A_48 = arith.constant 0.000000e+00 : f32
    %max3A_49 = vector.broadcast %max3A_48 : f32 to vector<2048x256xf32>
    %max3A_50 = arith.maximumf %add3A_19, %max3A_49 : vector<2048x256xf32>
    %jit3A_51 = arith.constant 0.000000e+00 : f32
    %broadcast_in_dim3A_52 = vector.shape_cast %lt3A_3 : vector<2048x1xi1> to vector<2048x1xi1>
    %broadcast_in_dim3A_53 = vector.broadcast %broadcast_in_dim3A_52 : vector<2048x1xi1> to vector<2048x256xi1>
    %broadcast_in_dim3A_54 = vector.broadcast %jit3A_51 : f32 to vector<2048x256xf32>
    %select_n3A_55 = arith.select %broadcast_in_dim3A_53, %max3A_50, %broadcast_in_dim3A_54 : vector<2048x256xi1>, vector<2048x256xf32>
    %max3A_56 = arith.constant 0.000000e+00 : f32
    %max3A_57 = vector.broadcast %max3A_56 : f32 to vector<2048x256xf32>
    %max3A_58 = arith.maximumf %add3A_29, %max3A_57 : vector<2048x256xf32>
    %jit3A_59 = arith.constant 0.000000e+00 : f32
    %broadcast_in_dim3A_60 = vector.shape_cast %lt3A_3 : vector<2048x1xi1> to vector<2048x1xi1>
    %broadcast_in_dim3A_61 = vector.broadcast %broadcast_in_dim3A_60 : vector<2048x1xi1> to vector<2048x256xi1>
    %broadcast_in_dim3A_62 = vector.broadcast %jit3A_59 : f32 to vector<2048x256xf32>
    %select_n3A_63 = arith.select %broadcast_in_dim3A_61, %max3A_58, %broadcast_in_dim3A_62 : vector<2048x256xi1>, vector<2048x256xf32>
    %get3A_64 = arith.constant 0 : index
    %get3A_65 = arith.constant 0 : index
    %get3A_66 = vector.load %arg11[%get3A_64, %get3A_65] : memref<2048x128xf32, #tpu.memory_space<vmem>>, vector<2048x128xf32>
    %jit3A_67 = arith.constant 0.000000e+00 : f32
    %broadcast_in_dim3A_68 = vector.shape_cast %lt3A_3 : vector<2048x1xi1> to vector<2048x1xi1>
    %broadcast_in_dim3A_69 = vector.broadcast %broadcast_in_dim3A_68 : vector<2048x1xi1> to vector<2048x128xi1>
    %broadcast_in_dim3A_70 = vector.broadcast %jit3A_67 : f32 to vector<2048x128xf32>
    %select_n3A_71 = arith.select %broadcast_in_dim3A_69, %get3A_66, %broadcast_in_dim3A_70 : vector<2048x128xi1>, vector<2048x128xf32>
    %get3A_72 = arith.constant 0 : index
    %get3A_73 = arith.constant 0 : index
    %get3A_74 = vector.load %arg12[%get3A_72, %get3A_73] : memref<2048x128xf32, #tpu.memory_space<vmem>>, vector<2048x128xf32>
    %jit3A_75 = arith.constant 0.000000e+00 : f32
    %broadcast_in_dim3A_76 = vector.shape_cast %lt3A_3 : vector<2048x1xi1> to vector<2048x1xi1>
    %broadcast_in_dim3A_77 = vector.broadcast %broadcast_in_dim3A_76 : vector<2048x1xi1> to vector<2048x128xi1>
    %broadcast_in_dim3A_78 = vector.broadcast %jit3A_75 : f32 to vector<2048x128xf32>
    %select_n3A_79 = arith.select %broadcast_in_dim3A_77, %get3A_74, %broadcast_in_dim3A_78 : vector<2048x128xi1>, vector<2048x128xf32>
    %dot_general3A_80 = arith.constant dense<0.000000e+00> : vector<128x256xf32>
    %dot_general3A_81 = tpu.matmul %select_n3A_71, %select_n3A_55, %dot_general3A_80 {dimension_numbers = #tpu.dot_dimension_numbers<[0], [0], [1], [1], [0, 1, 1, 1], [], []>, transpose_lhs_hint = false} : vector<2048x128xf32>, vector<2048x256xf32>, vector<128x256xf32> -> vector<128x256xf32>
    %dot_general3A_82 = arith.constant dense<0.000000e+00> : vector<128x256xf32>
    %dot_general3A_83 = tpu.matmul %select_n3A_79, %select_n3A_63, %dot_general3A_82 {dimension_numbers = #tpu.dot_dimension_numbers<[0], [0], [1], [1], [0, 1, 1, 1], [], []>, transpose_lhs_hint = false} : vector<2048x128xf32>, vector<2048x256xf32>, vector<128x256xf32> -> vector<128x256xf32>
    %add3A_84 = arith.addf %dot_general3A_81, %dot_general3A_83 : vector<128x256xf32>
    %get3A_85 = arith.constant 0 : index
    %get3A_86 = arith.constant 0 : index
    %get3A_87 = vector.load %arg3[%get3A_85, %get3A_86] : memref<1x256xi32, #tpu.memory_space<vmem>>, vector<1x256xi32>
    %eq3A = vector.broadcast %add3A_1 : vector<2048x1xi32> to vector<2048x256xi32>
    %eq3A_88 = vector.broadcast %get3A_87 : vector<1x256xi32> to vector<2048x256xi32>
    %eq3A_89 = arith.cmpi eq, %eq3A, %eq3A_88 : vector<2048x256xi32>
    %jit3A_90 = arith.constant 0.000000e+00 : f32
    %broadcast_in_dim3A_91 = vector.broadcast %jit3A_90 : f32 to vector<2048x256xf32>
    %select_n3A_92 = arith.select %eq3A_89, %add3A_19, %broadcast_in_dim3A_91 : vector<2048x256xi1>, vector<2048x256xf32>
    %reduce_sum3A = arith.constant dense<0.000000e+00> : vector<256xf32>
    %reduce_sum3A_93 = vector.multi_reduction <add>, %select_n3A_92, %reduce_sum3A [0] : vector<2048x256xf32> to vector<256xf32>
    %broadcast_in_dim3A_94 = vector.shape_cast %reduce_sum3A_93 : vector<256xf32> to vector<1x256xf32>
    %get3A_95 = arith.constant 0 : index
    %get3A_96 = arith.constant 0 : index
    %get3A_97 = vector.load %arg4[%get3A_95, %get3A_96] : memref<1x256xi32, #tpu.memory_space<vmem>>, vector<1x256xi32>
    %eq3A_98 = vector.broadcast %add3A_1 : vector<2048x1xi32> to vector<2048x256xi32>
    %eq3A_99 = vector.broadcast %get3A_97 : vector<1x256xi32> to vector<2048x256xi32>
    %eq3A_100 = arith.cmpi eq, %eq3A_98, %eq3A_99 : vector<2048x256xi32>
    %jit3A_101 = arith.constant 0.000000e+00 : f32
    %broadcast_in_dim3A_102 = vector.broadcast %jit3A_101 : f32 to vector<2048x256xf32>
    %select_n3A_103 = arith.select %eq3A_100, %add3A_29, %broadcast_in_dim3A_102 : vector<2048x256xi1>, vector<2048x256xf32>
    %reduce_sum3A_104 = arith.constant dense<0.000000e+00> : vector<256xf32>
    %reduce_sum3A_105 = vector.multi_reduction <add>, %select_n3A_103, %reduce_sum3A_104 [0] : vector<2048x256xf32> to vector<256xf32>
    %broadcast_in_dim3A_106 = vector.shape_cast %reduce_sum3A_105 : vector<256xf32> to vector<1x256xf32>
    %get3A_107 = arith.constant 0 : index
    %get3A_108 = arith.constant 0 : index
    %get3A_109 = vector.load %arg5[%get3A_107, %get3A_108] : memref<128x256xf32, #tpu.memory_space<vmem>>, vector<128x256xf32>
    %get3A_110 = arith.constant 0 : index
    %get3A_111 = arith.constant 0 : index
    %get3A_112 = vector.load %arg6[%get3A_110, %get3A_111] : memref<128x256xf32, #tpu.memory_space<vmem>>, vector<128x256xf32>
    %add3A_113 = arith.addf %get3A_109, %get3A_112 : vector<128x256xf32>
    %broadcast_in_dim3A_114 = arith.constant 1.000000e+00 : f32
    %broadcast_in_dim3A_115 = vector.broadcast %broadcast_in_dim3A_114 : f32 to vector<1x128xf32>
    %mul3A_116 = arith.mulf %add3A_113, %add3A_113 : vector<128x256xf32>
    %dot_general3A_117 = arith.constant dense<0.000000e+00> : vector<1x256xf32>
    %dot_general3A_118 = tpu.matmul %broadcast_in_dim3A_115, %mul3A_116, %dot_general3A_117 {dimension_numbers = #tpu.dot_dimension_numbers<[1], [0], [0], [1], [0, 0, 1, 1], [], []>, transpose_lhs_hint = false} : vector<1x128xf32>, vector<128x256xf32>, vector<1x256xf32> -> vector<1x256xf32>
    %dot_general3A_119 = arith.constant dense<0.000000e+00> : vector<2048x256xf32>
    %dot_general3A_120 = tpu.matmul %select_n3A_71, %get3A_109, %dot_general3A_119 {dimension_numbers = #tpu.dot_dimension_numbers<[1], [0], [0], [1], [0, 0, 1, 1], [], []>, transpose_lhs_hint = false} : vector<2048x128xf32>, vector<128x256xf32>, vector<2048x256xf32> -> vector<2048x256xf32>
    %dot_general3A_121 = arith.constant dense<0.000000e+00> : vector<2048x256xf32>
    %dot_general3A_122 = tpu.matmul %select_n3A_79, %get3A_112, %dot_general3A_121 {dimension_numbers = #tpu.dot_dimension_numbers<[1], [0], [0], [1], [0, 0, 1, 1], [], []>, transpose_lhs_hint = false} : vector<2048x128xf32>, vector<128x256xf32>, vector<2048x256xf32> -> vector<2048x256xf32>
    %add3A_123 = arith.addf %dot_general3A_120, %dot_general3A_122 : vector<2048x256xf32>
    %broadcast_in_dim3A_124 = arith.constant 1.000000e+00 : f32
    %broadcast_in_dim3A_125 = vector.broadcast %broadcast_in_dim3A_124 : f32 to vector<128x1xf32>
    %mul3A_126 = arith.mulf %select_n3A_71, %select_n3A_71 : vector<2048x128xf32>
    %dot_general3A_127 = arith.constant dense<0.000000e+00> : vector<2048x1xf32>
    %dot_general3A_128 = tpu.matmul %mul3A_126, %broadcast_in_dim3A_125, %dot_general3A_127 {dimension_numbers = #tpu.dot_dimension_numbers<[1], [0], [0], [1], [0, 0, 1, 1], [], []>, transpose_lhs_hint = false} : vector<2048x128xf32>, vector<128x1xf32>, vector<2048x1xf32> -> vector<2048x1xf32>
    %mul3A_129 = arith.mulf %select_n3A_79, %select_n3A_79 : vector<2048x128xf32>
    %dot_general3A_130 = arith.constant dense<0.000000e+00> : vector<2048x1xf32>
    %dot_general3A_131 = tpu.matmul %mul3A_129, %broadcast_in_dim3A_125, %dot_general3A_130 {dimension_numbers = #tpu.dot_dimension_numbers<[1], [0], [0], [1], [0, 0, 1, 1], [], []>, transpose_lhs_hint = false} : vector<2048x128xf32>, vector<128x1xf32>, vector<2048x1xf32> -> vector<2048x1xf32>
    %broadcast_in_dim3A_132 = vector.shape_cast %gt3A_10 : vector<1x256xi1> to vector<1x256xi1>
    %broadcast_in_dim3A_133 = vector.broadcast %broadcast_in_dim3A_132 : vector<1x256xi1> to vector<2048x256xi1>
    %broadcast_in_dim3A_134 = vector.shape_cast %dot_general3A_131 : vector<2048x1xf32> to vector<2048x1xf32>
    %broadcast_in_dim3A_135 = vector.broadcast %broadcast_in_dim3A_134 : vector<2048x1xf32> to vector<2048x256xf32>
    %broadcast_in_dim3A_136 = vector.shape_cast %dot_general3A_128 : vector<2048x1xf32> to vector<2048x1xf32>
    %broadcast_in_dim3A_137 = vector.broadcast %broadcast_in_dim3A_136 : vector<2048x1xf32> to vector<2048x256xf32>
    %select_n3A_138 = arith.select %broadcast_in_dim3A_133, %broadcast_in_dim3A_135, %broadcast_in_dim3A_137 : vector<2048x256xi1>, vector<2048x256xf32>
    %mul3A_139 = arith.constant 2.000000e+00 : f32
    %mul3A_140 = vector.broadcast %mul3A_139 : f32 to vector<2048x256xf32>
    %mul3A_141 = arith.mulf %mul3A_140, %add3A_123 : vector<2048x256xf32>
    %sub3A = vector.broadcast %dot_general3A_118 : vector<1x256xf32> to vector<2048x256xf32>
    %sub3A_142 = arith.subf %sub3A, %mul3A_141 : vector<2048x256xf32>
    %add3A_143 = arith.addf %sub3A_142, %select_n3A_138 : vector<2048x256xf32>
    %broadcast_in_dim3A_144 = vector.shape_cast %gt3A_10 : vector<1x256xi1> to vector<1x256xi1>
    %broadcast_in_dim3A_145 = vector.broadcast %broadcast_in_dim3A_144 : vector<1x256xi1> to vector<2048x256xi1>
    %select_n3A_146 = arith.select %broadcast_in_dim3A_145, %add3A_29, %add3A_19 : vector<2048x256xi1>, vector<2048x256xf32>
    %convert_element_type3A = arith.truncf %add3A_143 : vector<2048x256xf32> to vector<2048x256xbf16>
    %bitcast_convert_type3A = tpu.bitcast %convert_element_type3A : vector<2048x256xbf16> -> vector<2048x256xi16>
    %convert_element_type3A_147 = arith.extui %bitcast_convert_type3A : vector<2048x256xi16> to vector<2048x256xi32>
    %shift_left3A = arith.constant 16 : i32
    %shift_left3A_148 = vector.broadcast %shift_left3A : i32 to vector<2048x256xi32>
    %shift_left3A_149 = arith.shli %convert_element_type3A_147, %shift_left3A_148 : vector<2048x256xi32>
    %convert_element_type3A_150 = arith.truncf %select_n3A_146 : vector<2048x256xf32> to vector<2048x256xbf16>
    %bitcast_convert_type3A_151 = tpu.bitcast %convert_element_type3A_150 : vector<2048x256xbf16> -> vector<2048x256xi16>
    %convert_element_type3A_152 = arith.extui %bitcast_convert_type3A_151 : vector<2048x256xi16> to vector<2048x256xi32>
    %or3A = arith.ori %shift_left3A_149, %convert_element_type3A_152 : vector<2048x256xi32>
    %bitcast_convert_type3A_153 = tpu.bitcast %or3A : vector<2048x256xi32> -> vector<2048x256xf32>
    %slice3A = vector.extract_strided_slice %bitcast_convert_type3A_153 {offsets = [0, 0], sizes = [2048, 128], strides = [1, 1]} : vector<2048x256xf32> to vector<2048x128xf32>
    %swap3A = arith.constant 0 : index
    %swap3A_154 = arith.constant 0 : index
    %swap3A_155 = arith.constant 0 : index
    %swap3A_156 = vector.load %arg13[%swap3A, %swap3A_154, %swap3A_155] : memref<2x2048x128xf32, #tpu.memory_space<vmem>>, vector<1x2048x128xf32>
    %swap3A_157 = vector.shape_cast %swap3A_156 : vector<1x2048x128xf32> to vector<2048x128xf32>
    %swap3A_158 = vector.shape_cast %slice3A : vector<2048x128xf32> to vector<1x2048x128xf32>
    tpu.vector_store %arg13[%swap3A, %swap3A_154, %swap3A_155], %swap3A_158 {strides = array<i32>} : memref<2x2048x128xf32, #tpu.memory_space<vmem>>, vector<1x2048x128xf32>,
    %slice3A_159 = vector.extract_strided_slice %bitcast_convert_type3A_153 {offsets = [0, 128], sizes = [2048, 128], strides = [1, 1]} : vector<2048x256xf32> to vector<2048x128xf32>
    %swap3A_160 = arith.constant 1 : index
    %swap3A_161 = arith.constant 0 : index
    %swap3A_162 = arith.constant 0 : index
    %swap3A_163 = vector.load %arg13[%swap3A_160, %swap3A_161, %swap3A_162] : memref<2x2048x128xf32, #tpu.memory_space<vmem>>, vector<1x2048x128xf32>
    %swap3A_164 = vector.shape_cast %swap3A_163 : vector<1x2048x128xf32> to vector<2048x128xf32>
    %swap3A_165 = vector.shape_cast %slice3A_159 : vector<2048x128xf32> to vector<1x2048x128xf32>
    tpu.vector_store %arg13[%swap3A_160, %swap3A_161, %swap3A_162], %swap3A_165 {strides = array<i32>} : memref<2x2048x128xf32, #tpu.memory_space<vmem>>, vector<1x2048x128xf32>,
    %eq3A_166 = arith.constant 0 : i32
    %eq3A_167 = arith.cmpi eq, %arg0, %eq3A_166 : i32
    %convert_element_type3A_168 = arith.extui %eq3A_167 : i1 to i32
    %cond3A = arith.constant 0 : i32
    %cond3A_169 = arith.cmpi ne, %convert_element_type3A_168, %cond3A : i32
    scf.if %cond3A_169 {
      %broadcast_in_dim3A_204 = arith.constant 0.000000e+00 : f32
      %broadcast_in_dim3A_205 = vector.broadcast %broadcast_in_dim3A_204 : f32 to vector<128x256xf32>
      %swap3A_206 = arith.constant 0 : index
      %swap3A_207 = arith.constant 0 : index
      %swap3A_208 = vector.load %arg14[%swap3A_206, %swap3A_207] : memref<128x256xf32, #tpu.memory_space<vmem>>, vector<128x256xf32>
      tpu.vector_store %arg14[%swap3A_206, %swap3A_207], %broadcast_in_dim3A_205 {strides = array<i32>} : memref<128x256xf32, #tpu.memory_space<vmem>>, vector<128x256xf32>,
      %broadcast_in_dim3A_209 = arith.constant 0.000000e+00 : f32
      %broadcast_in_dim3A_210 = vector.broadcast %broadcast_in_dim3A_209 : f32 to vector<1x1xf32>
      %swap3A_211 = arith.constant 0 : index
      %swap3A_212 = arith.constant 0 : index
      %swap3A_213 = vector.load %arg15[%swap3A_211, %swap3A_212] : memref<1x1xf32, #tpu.memory_space<vmem>>, vector<1x1xf32>
      tpu.vector_store %arg15[%swap3A_211, %swap3A_212], %broadcast_in_dim3A_210 {strides = array<i32>} : memref<1x1xf32, #tpu.memory_space<vmem>>, vector<1x1xf32>,
      %broadcast_in_dim3A_214 = arith.constant 0.000000e+00 : f32
      %broadcast_in_dim3A_215 = vector.broadcast %broadcast_in_dim3A_214 : f32 to vector<1x256xf32>
      %swap3A_216 = arith.constant 0 : index
      %swap3A_217 = arith.constant 0 : index
      %swap3A_218 = vector.load %arg16[%swap3A_216, %swap3A_217] : memref<1x256xf32, #tpu.memory_space<vmem>>, vector<1x256xf32>
      tpu.vector_store %arg16[%swap3A_216, %swap3A_217], %broadcast_in_dim3A_215 {strides = array<i32>} : memref<1x256xf32, #tpu.memory_space<vmem>>, vector<1x256xf32>,
      %broadcast_in_dim3A_219 = arith.constant 0.000000e+00 : f32
      %broadcast_in_dim3A_220 = vector.broadcast %broadcast_in_dim3A_219 : f32 to vector<1x256xf32>
      %swap3A_221 = arith.constant 0 : index
      %swap3A_222 = arith.constant 0 : index
      %swap3A_223 = vector.load %arg17[%swap3A_221, %swap3A_222] : memref<1x256xf32, #tpu.memory_space<vmem>>, vector<1x256xf32>
      tpu.vector_store %arg17[%swap3A_221, %swap3A_222], %broadcast_in_dim3A_220 {strides = array<i32>} : memref<1x256xf32, #tpu.memory_space<vmem>>, vector<1x256xf32>,
    } else {
    }
    %get3A_170 = arith.constant 0 : index
    %get3A_171 = arith.constant 0 : index
    %get3A_172 = vector.load %arg14[%get3A_170, %get3A_171] : memref<128x256xf32, #tpu.memory_space<vmem>>, vector<128x256xf32>
    %add3A_173 = arith.addf %get3A_172, %add3A_84 : vector<128x256xf32>
    %swap3A_174 = arith.constant 0 : index
    %swap3A_175 = arith.constant 0 : index
    %swap3A_176 = vector.load %arg14[%swap3A_174, %swap3A_175] : memref<128x256xf32, #tpu.memory_space<vmem>>, vector<128x256xf32>
    tpu.vector_store %arg14[%swap3A_174, %swap3A_175], %add3A_173 {strides = array<i32>} : memref<128x256xf32, #tpu.memory_space<vmem>>, vector<128x256xf32>,
    %get3A_177 = arith.constant 0 : index
    %get3A_178 = arith.constant 0 : index
    %get3A_179 = vector.load %arg15[%get3A_177, %get3A_178] : memref<1x1xf32, #tpu.memory_space<vmem>>, vector<1x1xf32>
    %reduce_sum3A_180 = vector.shape_cast %select_n3A : vector<2048x256xf32> to vector<1x2048x256xf32>
    %reduce_sum3A_181 = arith.constant dense<0.000000e+00> : vector<1xf32>
    %reduce_sum3A_182 = vector.multi_reduction <add>, %reduce_sum3A_180, %reduce_sum3A_181 [1, 2] : vector<1x2048x256xf32> to vector<1xf32>
    %reduce_sum3A_183 = vector.shape_cast %reduce_sum3A_182 : vector<1xf32> to vector<1x1x1xf32>
    %reduce_sum3A_184 = vector.extract %reduce_sum3A_183[0, 0, 0] : f32 from vector<1x1x1xf32>
    %add3A_185 = vector.broadcast %reduce_sum3A_184 : f32 to vector<1x1xf32>
    %add3A_186 = arith.addf %get3A_179, %add3A_185 : vector<1x1xf32>
    %swap3A_187 = arith.constant 0 : index
    %swap3A_188 = arith.constant 0 : index
    %swap3A_189 = vector.load %arg15[%swap3A_187, %swap3A_188] : memref<1x1xf32, #tpu.memory_space<vmem>>, vector<1x1xf32>
    tpu.vector_store %arg15[%swap3A_187, %swap3A_188], %add3A_186 {strides = array<i32>} : memref<1x1xf32, #tpu.memory_space<vmem>>, vector<1x1xf32>,
    %get3A_190 = arith.constant 0 : index
    %get3A_191 = arith.constant 0 : index
    %get3A_192 = vector.load %arg16[%get3A_190, %get3A_191] : memref<1x256xf32, #tpu.memory_space<vmem>>, vector<1x256xf32>
    %add3A_193 = arith.addf %get3A_192, %broadcast_in_dim3A_94 : vector<1x256xf32>
    %swap3A_194 = arith.constant 0 : index
    %swap3A_195 = arith.constant 0 : index
    %swap3A_196 = vector.load %arg16[%swap3A_194, %swap3A_195] : memref<1x256xf32, #tpu.memory_space<vmem>>, vector<1x256xf32>
    tpu.vector_store %arg16[%swap3A_194, %swap3A_195], %add3A_193 {strides = array<i32>} : memref<1x256xf32, #tpu.memory_space<vmem>>, vector<1x256xf32>,
    %get3A_197 = arith.constant 0 : index
    %get3A_198 = arith.constant 0 : index
    %get3A_199 = vector.load %arg17[%get3A_197, %get3A_198] : memref<1x256xf32, #tpu.memory_space<vmem>>, vector<1x256xf32>
    %add3A_200 = arith.addf %get3A_199, %broadcast_in_dim3A_106 : vector<1x256xf32>
    %swap3A_201 = arith.constant 0 : index
    %swap3A_202 = arith.constant 0 : index
    %swap3A_203 = vector.load %arg17[%swap3A_201, %swap3A_202] : memref<1x256xf32, #tpu.memory_space<vmem>>, vector<1x256xf32>
    tpu.vector_store %arg17[%swap3A_201, %swap3A_202], %add3A_200 {strides = array<i32>} : memref<1x256xf32, #tpu.memory_space<vmem>>, vector<1x256xf32>,
    return
  }
  func.func @transform_0(%arg0: i32) -> (i32, i32) {
    %c0_i32 = arith.constant 0 : i32
    %c0_i32_0 = arith.constant 0 : i32
    %c0_i32_1 = arith.constant 0 : i32
    return %c0_i32, %c0_i32_0 : i32, i32
  }
  func.func @transform_1(%arg0: i32) -> (i32, i32) {
    %c0_i32 = arith.constant 0 : i32
    %c0_i32_0 = arith.constant 0 : i32
    %c0_i32_1 = arith.constant 0 : i32
    return %c0_i32, %c0_i32_0 : i32, i32
  }
  func.func @transform_2(%arg0: i32) -> (i32, i32) {
    %c0_i32 = arith.constant 0 : i32
    %c0_i32_0 = arith.constant 0 : i32
    %c0_i32_1 = arith.constant 0 : i32
    return %c0_i32, %c0_i32_0 : i32, i32
  }
  func.func @transform_3(%arg0: i32) -> (i32, i32) {
    %c0_i32 = arith.constant 0 : i32
    %c0_i32_0 = arith.constant 0 : i32
    %c0_i32_1 = arith.constant 0 : i32
    return %c0_i32, %c0_i32_0 : i32, i32
  }
  func.func @transform_4(%arg0: i32) -> (i32, i32) {
    %c0_i32 = arith.constant 0 : i32
    %c0_i32_0 = arith.constant 0 : i32
    %c0_i32_1 = arith.constant 0 : i32
    return %c0_i32, %c0_i32_0 : i32, i32
  }
  func.func @transform_5(%arg0: i32) -> (i32, i32) {
    %c0_i32 = arith.constant 0 : i32
    %c0_i32_0 = arith.constant 0 : i32
    %c0_i32_1 = arith.constant 0 : i32
    return %c0_i32, %c0_i32_0 : i32, i32
  }
  func.func @transform_6(%arg0: i32) -> (i32, i32) {
    %c0_i32 = arith.constant 0 : i32
    %c0_i32_0 = arith.constant 0 : i32
    return %arg0, %c0_i32 : i32, i32
  }
  func.func @transform_7(%arg0: i32) -> (i32, i32) {
    %c0_i32 = arith.constant 0 : i32
    %c0_i32_0 = arith.constant 0 : i32
    return %arg0, %c0_i32 : i32, i32
  }
  func.func @transform_8(%arg0: i32) -> (i32, i32) {
    %c0_i32 = arith.constant 0 : i32
    %c0_i32_0 = arith.constant 0 : i32
    return %arg0, %c0_i32 : i32, i32
  }
  func.func @transform_9(%arg0: i32) -> (i32, i32) {
    %c0_i32 = arith.constant 0 : i32
    %c0_i32_0 = arith.constant 0 : i32
    return %arg0, %c0_i32 : i32, i32
  }
  func.func @transform_10(%arg0: i32) -> (i32, i32) {
    %c0_i32 = arith.constant 0 : i32
    %c0_i32_0 = arith.constant 0 : i32
    return %arg0, %c0_i32 : i32, i32
  }
  func.func @transform_11(%arg0: i32) -> (i32, i32) {
    %c0_i32 = arith.constant 0 : i32
    %c0_i32_0 = arith.constant 0 : i32
    return %arg0, %c0_i32 : i32, i32
  }
  func.func @transform_12(%arg0: i32) -> (i32, i32, i32) {
    %c0_i32 = arith.constant 0 : i32
    %c0_i32_0 = arith.constant 0 : i32
    %c0_i32_1 = arith.constant 0 : i32
    return %c0_i32, %arg0, %c0_i32_0 : i32, i32, i32
  }
  func.func @transform_13(%arg0: i32) -> (i32, i32) {
    %c0_i32 = arith.constant 0 : i32
    %c0_i32_0 = arith.constant 0 : i32
    %c0_i32_1 = arith.constant 0 : i32
    return %c0_i32, %c0_i32_0 : i32, i32
  }
  func.func @transform_14(%arg0: i32) -> (i32, i32) {
    %c0_i32 = arith.constant 0 : i32
    %c0_i32_0 = arith.constant 0 : i32
    %c0_i32_1 = arith.constant 0 : i32
    return %c0_i32, %c0_i32_0 : i32, i32
  }
  func.func @transform_15(%arg0: i32) -> (i32, i32) {
    %c0_i32 = arith.constant 0 : i32
    %c0_i32_0 = arith.constant 0 : i32
    %c0_i32_1 = arith.constant 0 : i32
    return %c0_i32, %c0_i32_0 : i32, i32
  }
  func.func @transform_16(%arg0: i32) -> (i32, i32) {
    %c0_i32 = arith.constant 0 : i32
    %c0_i32_0 = arith.constant 0 : i32
    %c0_i32_1 = arith.constant 0 : i32
    return %c0_i32, %c0_i32_0 : i32, i32
  }
}

</mosaic_0001>

<sc_bundles>
// kernel: kernel.4.cloned.1.call-start
scs
__scs_entry_jumppad:
0x0: {  	(pc) =	sbr.rel $0x88, $3  }
0x1: {  	(tag) =	ssettag $0x0;
	lr =	simm.s32 $0x1  }
0x2: {  	[smem:$0x3F97] =	sst lr;
	_ =	strace $0xD0000000  }
0x3: {  	_ = 	snop  }
0x4: {  	_ = 	snop  }
0x5: {  	_ = 	snop  }
0x6: {  	_ = 	snop  }
0x7: {  	_ = 	snop  }
__scs_overlays_trampoline_lowered:
0x8: {  	[smem:$0x3FA6] =	sst s0  }
0x9: {  	[smem:$0x3FA7] =	sst s1  }
0xa: {  	[smem:$0x3FA8] =	sst s2  }
0xb: {  	[smem:$0x3FA9] =	sst s3  }
0xc: {  	[smem:$0x3FAA] =	sst s4  }
0xd: {  	[smem:$0x3FAB] =	sst s5  }
0xe: {  	[smem:$0x3FAC] =	sst s6  }
0xf: {  	[smem:$0x3FAD] =	sst s7  }
0x10: {  	[smem:$0x3FAE] =	sst s8  }
0x11: {  	[smem:$0x3FAF] =	sst s9;
	s0 =	simm.s32 @!p0 $0x0  }
0x12: {  	s1 =	sld [smem:$0x3F95];
	s0 =	simm.s32 @p0 $0x1  }
0x13: {  	[smem:$0x3FB0] =	sst s0;
	s0 =	simm.s32 @!p1 $0x0  }
0x14: {  	s2 =	sld [smem:$0x3F94];
	s0 =	simm.s32 @p1 $0x1  }
0x15: {  	[smem:$0x3FB1] =	sst s0;
	s0 =	simm.s32 @!p2 $0x0  }
0x16: {  	s3 =	sld [smem:$0x3FDB];
	s0 =	simm.s32 @p2 $0x1  }
0x17: {  	s4 =	simm.s32 $0x1BF5;
	[smem:$0x3FB3] =	sst s0  }
0x18: {  	s0 =	sld [smem:$0x3F96];
	_ =	swait.ge [sflag:s4], $0x0  }
0x19: {  	s7 =	sld [smem:$0x3F97]  }
0x1a: {  	s8 =	sadd.s32 $0xFFFFE003, lr  }
0x1b: {  	s9 =	sadd.s32 $0xFFFFFEF7, lr;
	s5 =	simm.s32 $0xFFFFFFFF;
	p2 =	slt.u32 s8, $0xFFFFF086  }
0x1c: {  	p1 =	slt.u32 s9, $0xF7A;
	s5 =	simm.s32 @!p2 $0x0  }
0x1d: {  	s5 =	simm.s32 @p1 $0x1;
	p0 =	seq.s32 s7, s2  }
0x1e: {  	s7 =	smul.u32 @!p0 $0xF7A, s2;
	p2 =	seq.s32 @!p0 s5, $0x0  }
0x1f: {  	s9 =	smul.u32 $0xF7A, s1;
	s8 =	simm.s32 @!p0 $0x1BF5;
	p2 =	por !p2, p0  }
0x20: {  	[sflag:s8] =	ssyncset.s32 @!p0 $0xFFFFF086;
	s6 =	sadd.s32 @!p0 s3, s7;
	s7 =	simm.s32 @!p0 $0x108  }
0x21: {  	s3 =	sadd.s32 s3, s9;
	s6 =	sadd.s32 @!p0 $0x88, s6;
	s7 =	simm.s32 @p2 $0x1082  }
0x22: {  	[simem:s7], [sflag:s8] =	dma.local @!p0 [hbm:s6], $0xF7A  }
0x23: {  	s9 =	sor.u32 $0xD0000000, s2;
	s6 =	simm.s32 $0x108;
	_ =	swait.ge @!p0 [sflag:s8], $0x0  }
0x24: {  	s3 =	sadd.s32 $0x88, s3;
	s6 =	simm.s32 @!p1 $0x1082;
	[sflag:s4] =	ssyncset.s32 $0xFFFFF086  }
0x25: {  	[simem:s6], [sflag:s4] =	dma.local [hbm:s3], $0xF7A  }
0x26: {  	[smem:$0x3F97] =	sst s1;
	(tag) =	ssettag s2;
	_ =	strace s9  }
0x27: {  	s1 =	sld [smem:$0x3FA7]  }
0x28: {  	s2 =	sld [smem:$0x3FA8]  }
0x29: {  	s4 =	sld [smem:$0x3FAA]  }
0x2a: {  	p0 =	seq.s32 s5, $0x0;
	s5 =	sld [smem:$0x3FAB]  }
0x2b: {  	s6 =	sld [smem:$0x3FAC]  }
0x2c: {  	s7 =	sld [smem:$0x3FAD]  }
0x2d: {  	s3 =	simm.s32 $0x108;
	s8 =	sld [smem:$0x3FAE]  }
0x2e: {  	s3 =	simm.s32 @!p0 $0x1082;
	s9 =	sld [smem:$0x3FAF]  }
0x2f: {  	lr =	sadd.s32 s0, s3;
	s0 =	sld [smem:$0x3FA6]  }
0x30: {  	s3 =	sld [smem:$0x3FA9]  }
0x31: {  	[smem:$0x3FB2] =	sst s10  }
0x32: {  	s10 =	sld [smem:$0x3FB0];
	_ =	sdelay $0x3  }
0x33: {  	p0 =	seq.s32 s10, $0x1;
	s10 =	sld [smem:$0x3FB2];
	_ =	sdelay $0x3  }
0x34: {  	[smem:$0x3FB2] =	sst s10  }
0x35: {  	s10 =	sld [smem:$0x3FB1];
	_ =	sdelay $0x3  }
0x36: {  	p1 =	seq.s32 s10, $0x1;
	s10 =	sld [smem:$0x3FB2];
	_ =	sdelay $0x3  }
0x37: {  	[smem:$0x3FB2] =	sst s10  }
0x38: {  	s10 =	sld [smem:$0x3FB3]  }
0x39: {  	_ = 	snop;
	(pc) =	sbr.ind lr, $3  }
0x3a: {  	_ = 	snop  }
0x3b: {  	_ = 	snop  }
0x3c: {  	p2 =	seq.s32 s10, $0x1;
	s10 =	sld [smem:$0x3FB2]  }
0x3d: {  	_ =	shalt  }
0x3e: {  	_ =	shalt  }
0x3f: {  	_ =	shalt  }
0x40: {  	_ =	shalt  }
0x41: {  	_ =	shalt  }
0x42: {  	_ =	shalt  }
0x43: {  	_ =	shalt  }
0x44: {  	_ =	shalt  }
0x45: {  	_ =	shalt  }
0x46: {  	_ =	shalt  }
0x47: {  	_ =	shalt  }
0x48: {  	_ =	shalt  }
0x49: {  	_ =	shalt  }
0x4a: {  	_ =	shalt  }
0x4b: {  	_ =	shalt  }
0x4c: {  	_ =	shalt  }
0x4d: {  	_ =	shalt  }
0x4e: {  	_ =	shalt  }
0x4f: {  	_ =	shalt  }
0x50: {  	_ =	shalt  }
0x51: {  	_ =	shalt  }
0x52: {  	_ =	shalt  }
0x53: {  	_ =	shalt  }
0x54: {  	_ =	shalt  }
0x55: {  	_ =	shalt  }
0x56: {  	_ =	shalt  }
0x57: {  	_ =	shalt  }
0x58: {  	_ =	shalt  }
0x59: {  	_ =	shalt  }
0x5a: {  	_ =	shalt  }
0x5b: {  	_ =	shalt  }
0x5c: {  	_ =	shalt  }
0x5d: {  	_ =	shalt  }
0x5e: {  	_ =	shalt  }
0x5f: {  	_ =	shalt  }
0x60: {  	_ =	shalt  }
0x61: {  	_ =	shalt  }
0x62: {  	_ =	shalt  }
0x63: {  	_ =	shalt  }
0x64: {  	_ =	shalt  }
0x65: {  	_ =	shalt  }
0x66: {  	_ =	shalt  }
0x67: {  	_ =	shalt  }
0x68: {  	_ =	shalt  }
0x69: {  	_ =	shalt  }
0x6a: {  	_ =	shalt  }
0x6b: {  	_ =	shalt  }
0x6c: {  	_ =	shalt  }
0x6d: {  	_ =	shalt  }
0x6e: {  	_ =	shalt  }
0x6f: {  	_ =	shalt  }
0x70: {  	_ =	shalt  }
0x71: {  	_ =	shalt  }
0x72: {  	_ =	shalt  }
0x73: {  	_ =	shalt  }
0x74: {  	_ =	shalt  }
0x75: {  	_ =	shalt  }
0x76: {  	_ =	shalt  }
0x77: {  	_ =	shalt  }
0x78: {  	_ =	shalt  }
0x79: {  	_ =	shalt  }
0x7a: {  	_ =	shalt  }
0x7b: {  	_ =	shalt  }
0x7c: {  	_ =	shalt  }
0x7d: {  	_ =	shalt  }
0x7e: {  	_ =	shalt  }
0x7f: {  	_ =	shalt  }
0x80: {  	_ =	shalt  }
0x81: {  	_ =	shalt  }
0x82: {  	_ =	shalt  }
0x83: {  	_ =	shalt  }
0x84: {  	_ =	shalt  }
0x85: {  	_ =	shalt  }
0x86: {  	_ =	shalt  }
0x87: {  	_ =	shalt  }
.Lfunc_end0:
.L_simem_size_0:
called_computation_lowered:
.L_overlay_start_0:
0x88: {  	s2 =	sld [smem:$0x3FD9]  }
0x89: {  	s3 =	sld [smem:$0x3FFE];
	_ =	sdelay $0x1  }
0x8a: {  	s1 =	srdreg.scid  }
0x8b: {  	s0 =	sand.u32 $0x1, s1  }
0x8c: {  	s17 =	sshll.u32 s0, $0xA;
	s2 =	sadd.s32 s3, s2  }
0x8d: {  	s2 =	sadd.s32 s2, s17  }
0x8e: {  	[smem:$0x3FBE] =	sst s2  }
0x8f: {  	_ = 	snop  }
0x90: {  	s2 =	sld [smem:$0x3FC2]  }
0x91: {  	s18 =	sld [smem:$0x3FC1]  }
0x92: {  	s4 =	sld [smem:$0x3FC0];
	(tm) =	ssettm $0x1  }
0x93: {  	s5 =	sld [smem:$0x3FFB];
	_ =	sdelay $0x3  }
0x94: {  	_ =	strace s5  }
0x95: {  	s5 =	sld [smem:$0x3FFC];
	_ =	sdelay $0x3  }
0x96: {  	_ =	strace s5  }
0x97: {  	s5 =	sld [smem:$0x3FFD];
	_ =	sdelay $0x3  }
0x98: {  	_ =	strace s5  }
0x99: {  	_ =	strace $0x8FFFFFFF  }
0x9a: {  	s19 =	sld [smem:$0x3FDB];
	_ =	sdelay $0x1  }
0x9b: {  	s6 =	simm.s32 $_scs_section_size  }
0x9c: {  	s7 =	simm.s32 $_size__tile_overlayer_lowered;
	s8 =	simm.s32 $_tile_overlayer_lowered  }
0x9d: {  	s22 =	simm.s32 $0x1BFF;
	s21 =	sshll.u32 s8, $0x1;
	s5 =	sadd.s32 s6, s19  }
0x9e: {  	s9 =	simm.s32 $0x0;
	s20 =	sshll.u32 s7, $0x1;
	s7 =	sadd.s32 s21, s5  }
0x9f: {  	[timem:s9], [sflag:s22] =	dma.local [hbm:s7], s20  }
0xa0: {  	_ =	swait.ge [sflag:s22], s20  }
0xa1: {  	s6 =	ssub.s32 $0x0, s20;
	[sflag:s22] =	ssyncset.done $0x0  }
0xa2: {  	[sflag:s22] =	ssyncadd.s32 s6;
	_ =	sdelay $0x1  }
0xa3: {  	s23 =	simm.s32 $0x1B8B  }
0xa4: {  	_ =	swait.ge [sflag:s23], $0x1  }
0xa5: {  	[sflag:s23] =	ssyncset.done $0x0  }
0xa6: {  	s25 =	simm.s32 $0x1B8E;
	s24 =	sld [smem:$0x3FFE];
	[sflag:s23] =	ssyncadd.s32 $0xFFFFFFFF  }
0xa7: {  	s26 =	simm.s32 $execute0_lowered;
	[smem:$0x3FD2] =	sst s25  }
0xa8: {  	s7 =	sshll.u32 s26, $0x1;
	_ =	strace $0x80000046;
	[dreg:$0x1] =	wrdreg $0xFFFFFFFF  }
0xa9: {  	s28 =	simm.s32 $_size_execute0_lowered;
	s5 =	sadd.s32 s5, s7;
	[dreg:$0x0] =	wrdreg $0x0  }
0xaa: {  	s7 =	sshll.u32 s28, $0x1;
	[dreg:$0x2] =	wrdreg s5  }
0xab: {  	[dreg:$0x3] =	wrdreg s7  }
0xac: {  	[dreg:$0x4] =	wrdreg $0xC0  }
0xad: {  	_ =	task [dreg:s9], $0x5FFFF  }
0xae: {  	[dreg:$0x1] =	wrdreg $0xFFFFFFFF  }
0xaf: {  	[dreg:$0x0] =	wrdreg $0x60  }
0xb0: {  	[dreg:$0x2] =	wrdreg s2  }
0xb1: {  	[dreg:$0x3] =	wrdreg s18  }
0xb2: {  	[dreg:$0x4] =	wrdreg s4  }
0xb3: {  	[dreg:$0x5] =	wrdreg s24  }
0xb4: {  	[dreg:$0x6] =	wrdreg $0x9  }
0xb5: {  	_ =	task.clear_ibuf [dreg:s9], $0x7FFFF;
	_ =	strace $0x90000046  }
0xb6: {  	s29 =	simm.s32 $0x9;
	_ =	strace $0x80000048  }
0xb7: {  	_ =	swait.ge [sflag:s29], $0x1  }
0xb8: {  	[sflag:s29] =	ssyncadd.s32 $0xFFFFFFFF  }
0xb9: {  	_ =	strace $0x90000048  }
0xba: {  	_ =	sfence  }
0xbb: {  	s30 =	sld [smem:$0x0];
	_ =	sdelay $0x2  }
0xbc: {  	s31 =	sshll.u32 s1, $0xD;
	s1 =	sshrl.u32 s1, $0x2  }
0xbd: {  	s3 =	sand.u32 $0x4000, s31;
	s1 =	sadd.s32 s1, s30  }
0xbe: {  	s0 =	sor.u32 s3, s0;
	s1 =	sshll.u32 s1, $0x11  }
0xbf: {  	s0 =	sor.u32 s1, s0  }
0xc0: {  	s0 =	sadd.s32 $0x8F2B, s0  }
0xc1: {  	[sflag:s0] =	ssyncadd.remote.s32 $0x1  }
0xc2: {  	_ =	sfence.sel $0xFFFF  }
0xc3: {  	[dreg:$0x0] =	wrdreg $0xFFFFFFFF;
	(pc) =	sbr.abs _section_cstart, $3  }
0xc4: {  	[dreg:$0x1] =	wrdreg $0xFFFFFFFF  }
0xc5: {  	_ =	task.clear_ibuf [dreg:s9], $0x2FFFF;
	_ =	strace $0x9FFFFFFF  }
0xc6: {  	(tm) =	ssettm $0x7FFFFFFF  }
0xc7: {  	_ =	shalt  }
tec
execute0_lowered:
.L_overlay_start_1:
0x0: {  	(tag) =	ssettag $0x1  }
0x1: {  	s1 =	rddreg [dreg:$0x0];
	s3 =	srdreg.scid  }
0x2: {  	s2 =	rddreg [dreg:$0x1];
	s0 =	stileid.u32;
	s15 =	sand.u32 $0x1, s3  }
0x3: {  	s4 =	rddreg [dreg:$0x2];
	s30 =	sshll.u32 s0, $0x4;
	s5 =	sshll.u32 s15, $0x3  }
0x4: {  	s11 =	rddreg [dreg:$0x3];
	s12 =	sor.u32 s5, s30  }
0x5: {  	s3 =	rddreg [dreg:$0x4];
	s5 =	simm.s32 $0x0;
	s6 =	sshrl.u32 s12, $0x3  }
0x6: {  	[smem:$0x7FF] =	sst s5;
	s14 =	sadd.s32 s6, s11  }
0x7: {  	_ =	strace $0x80000047;
	s6 =	simm.s32 $0x2;
	s7 =	sadd.s32 $0x1800, s14  }
0x8: {  	[tilespmem:s5], [sflag:$0x2] =	stream.linear.gather [hbm4b:s7+s5], $0x8, $0x38;
	[tilespmem:$0x480] =	vst v63  }
0x9: {  	_ =	swait.ge [sflag:s6], $0x8  }
0xa: {  	s8 =	simm.s32 $0x8;
	[sflag:s6] =	ssyncset.done $0x0  }
0xb: {  	s9 =	simm.s32 $0x80;
	s10 =	simm.s32 $0x1;
	[sflag:s6] =	ssyncadd.s32 $0xFFFFFFF8  }
0xc: {  	[tilespmem:s9], [sflag:$0x1] =	stream.indirect.gather [hbm4b:s1+s8], $0x80, s5, s8, $0xb8;
	[tilespmem:$0x480] =	vst v63  }
0xd: {  	s12 =	sshll.u32 s12, $0x4;
	_ =	swait.ge [sflag:s10], $0x400  }
0xe: {  	s16 =	sadd.s32 s12, s11;
	[sflag:s10] =	ssyncset.done $0x0  }
0xf: {  	s11 =	sadd.s32 $0x3A00, s16;
	[sflag:s10] =	ssyncadd.s32 $0xFFFFFC00  }
0x10: {  	[hbm4b:s11+s5] =	stream.linear.scatter [tilespmem:s9], [sflag:$0x2], $0x400, $0x38;
	[tilespmem:$0x480] =	vst v63  }
0x11: {  	_ =	swait.ge [sflag:s6], $0x400  }
0x12: {  	[sflag:s6] =	ssyncset.done $0x0  }
0x13: {  	s12 =	sadd.s32 $0x1600, s14;
	[sflag:s6] =	ssyncadd.s32 $0xFFFFFC00  }
0x14: {  	[tilespmem:s5], [sflag:$0x2] =	stream.linear.gather [hbm4b:s12+s5], $0x8, $0x38;
	[tilespmem:$0x480] =	vst v63  }
0x15: {  	_ =	swait.ge [sflag:s6], $0x8  }
0x16: {  	[sflag:s6] =	ssyncset.done $0x0  }
0x17: {  	[sflag:s6] =	ssyncadd.s32 $0xFFFFFFF8  }
0x18: {  	[tilespmem:s9], [sflag:$0x1] =	stream.indirect.gather [hbm4b:s2+s8], $0x80, s5, s8, $0xb8;
	[tilespmem:$0x480] =	vst v63  }
0x19: {  	_ =	swait.ge [sflag:s10], $0x400  }
0x1a: {  	[sflag:s10] =	ssyncset.done $0x0  }
0x1b: {  	s13 =	sadd.s32 $0x2A00, s16;
	[sflag:s10] =	ssyncadd.s32 $0xFFFFFC00  }
0x1c: {  	[hbm4b:s13+s5] =	stream.linear.scatter [tilespmem:s9], [sflag:$0x2], $0x400, $0x38;
	[tilespmem:$0x480] =	vst v63  }
0x1d: {  	_ =	swait.ge [sflag:s6], $0x400  }
0x1e: {  	[sflag:s6] =	ssyncset.done $0x0  }
0x1f: {  	s15 =	ssub.s32 $0x2, s15;
	s14 =	sadd.s32 $0x1400, s14;
	[sflag:s6] =	ssyncadd.s32 $0xFFFFFC00  }
0x20: {  	[tilespmem:s5], [sflag:$0x2] =	stream.linear.gather [hbm4b:s14+s5], $0x8, $0x38;
	[tilespmem:$0x480] =	vst v63  }
0x21: {  	s17 =	sshrl.u32 s15, $0x1;
	_ =	swait.ge [sflag:s6], $0x8  }
0x22: {  	s17 =	ssub.s32 s15, s17;
	[sflag:s6] =	ssyncset.done $0x0  }
0x23: {  	s31 =	smax.u32 s17, $0x1;
	[sflag:s6] =	ssyncadd.s32 $0xFFFFFFF8  }
0x24: {  	[tilespmem:s9], [sflag:$0x1] =	stream.indirect.gather [hbm4b:s4+s8], $0x80, s5, s8, $0xb8;
	[tilespmem:$0x480] =	vst v63  }
0x25: {  	p0 =	sne.s32 s31, $0x1;
	_ =	swait.ge [sflag:s10], $0x400  }
.Ltmp0:
0x26: {  	[sflag:s10] =	ssyncset.done $0x0;
	(pc) =	sbr.rel @!p0 .LBB2_2-.Ltmp0, $4  }
0x27: {  	s15 =	sadd.s32 $0x1A00, s16;
	[sflag:s10] =	ssyncadd.s32 $0xFFFFFC00  }
0x28: {  	[hbm4b:s15+s5] =	stream.linear.scatter [tilespmem:s9], [sflag:$0x2], $0x400, $0x38;
	[tilespmem:$0x480] =	vst v63  }
0x29: {  	_ =	swait.ge [sflag:s6], $0x400  }
0x2a: {  	s16 =	sadd.s32 $0xFFFFFFFF, s31;
	[sflag:s6] =	ssyncset.done $0x0  }
.LBB2_1:
0x2b: {  	p0 =	sne.s32 s16, $0x1;
	s16 =	sadd.s32 $0xFFFFFFFF, s16;
	[sflag:s6] =	ssyncadd.s32 $0xFFFFFC00  }
0x2c: {  	[tilespmem:s5], [sflag:$0x2] =	stream.linear.gather [hbm4b:s7+s5], $0x8, $0x38;
	[tilespmem:$0x480] =	vst v63  }
0x2d: {  	_ =	swait.ge [sflag:s6], $0x8  }
0x2e: {  	[sflag:s6] =	ssyncset.done $0x0  }
0x2f: {  	[sflag:s6] =	ssyncadd.s32 $0xFFFFFFF8  }
0x30: {  	[tilespmem:s9], [sflag:$0x1] =	stream.indirect.gather [hbm4b:s1+s8], $0x80, s5, s8, $0xb8;
	[tilespmem:$0x480] =	vst v63  }
0x31: {  	_ =	swait.ge [sflag:s10], $0x400  }
0x32: {  	[sflag:s10] =	ssyncset.done $0x0  }
0x33: {  	[sflag:s10] =	ssyncadd.s32 $0xFFFFFC00  }
0x34: {  	[hbm4b:s11+s5] =	stream.linear.scatter [tilespmem:s9], [sflag:$0x2], $0x400, $0x38;
	[tilespmem:$0x480] =	vst v63  }
0x35: {  	_ =	swait.ge [sflag:s6], $0x400  }
0x36: {  	[sflag:s6] =	ssyncset.done $0x0  }
0x37: {  	[sflag:s6] =	ssyncadd.s32 $0xFFFFFC00  }
0x38: {  	[tilespmem:s5], [sflag:$0x2] =	stream.linear.gather [hbm4b:s12+s5], $0x8, $0x38;
	[tilespmem:$0x480] =	vst v63  }
0x39: {  	_ =	swait.ge [sflag:s6], $0x8  }
0x3a: {  	[sflag:s6] =	ssyncset.done $0x0  }
0x3b: {  	[sflag:s6] =	ssyncadd.s32 $0xFFFFFFF8  }
0x3c: {  	[tilespmem:s9], [sflag:$0x1] =	stream.indirect.gather [hbm4b:s2+s8], $0x80, s5, s8, $0xb8;
	[tilespmem:$0x480] =	vst v63  }
0x3d: {  	_ =	swait.ge [sflag:s10], $0x400  }
0x3e: {  	[sflag:s10] =	ssyncset.done $0x0  }
0x3f: {  	[sflag:s10] =	ssyncadd.s32 $0xFFFFFC00  }
0x40: {  	[hbm4b:s13+s5] =	stream.linear.scatter [tilespmem:s9], [sflag:$0x2], $0x400, $0x38;
	[tilespmem:$0x480] =	vst v63  }
0x41: {  	_ =	swait.ge [sflag:s6], $0x400  }
0x42: {  	[sflag:s6] =	ssyncset.done $0x0  }
0x43: {  	[sflag:s6] =	ssyncadd.s32 $0xFFFFFC00  }
0x44: {  	[tilespmem:s5], [sflag:$0x2] =	stream.linear.gather [hbm4b:s14+s5], $0x8, $0x38;
	[tilespmem:$0x480] =	vst v63  }
0x45: {  	_ =	swait.ge [sflag:s6], $0x8  }
0x46: {  	[sflag:s6] =	ssyncset.done $0x0  }
0x47: {  	[sflag:s6] =	ssyncadd.s32 $0xFFFFFFF8  }
0x48: {  	[tilespmem:s9], [sflag:$0x1] =	stream.indirect.gather [hbm4b:s4+s8], $0x80, s5, s8, $0xb8;
	[tilespmem:$0x480] =	vst v63  }
0x49: {  	_ =	swait.ge [sflag:s10], $0x400  }
.Ltmp1:
0x4a: {  	[sflag:s10] =	ssyncset.done $0x0;
	(pc) =	sbr.rel @p0 .LBB2_1-.Ltmp1, $4  }
0x4b: {  	[sflag:s10] =	ssyncadd.s32 $0xFFFFFC00  }
0x4c: {  	[hbm4b:s15+s5] =	stream.linear.scatter [tilespmem:s9], [sflag:$0x2], $0x400, $0x38;
	[tilespmem:$0x480] =	vst v63  }
0x4d: {  	_ =	swait.ge [sflag:s6], $0x400  }
0x4e: {  	[sflag:s6] =	ssyncset.done $0x0  }
.LBB2_2:
0x4f: {  	[sflag:s6] =	ssyncadd.s32 $0xFFFFFC00  }
0x50: {  	_ =	sfence.sel $0x180000  }
0x51: {  	[bflag:$0x0] =	sbarrier.arrive $0xFFFF  }
0x52: {  	p0 =	sne.s32 s0, $0x0;
	_ =	strace $0x90000047  }
0x53: {  	s0 =	sadd.s32 @!p0 $0x100000, s3;
	[bflag:$0x2] =	sbarrier.arrive $0xFFFF  }
0x54: {  	[sflag:s0] =	ssyncadd.tile.s32 @!p0 $0x1;
	_ =	shalt  }
.Lfunc_end2:
_tile_overlayer_lowered:
.L_overlay_start_2:
0x55: {  	(tag) =	ssettag $0x2  }
0x56: {  	s0 =	rddreg [dreg:$0x0];
	s2 =	stileid.u32  }
0x57: {  	s1 =	rddreg [dreg:$0x1];
	p0 =	sne.s32 s2, $0x0  }
0x58: {  	s3 =	rddreg [dreg:$0x2];
	[bflag:$0x3] =	sbarrier.arrive $0xFFFF;
	s2 =	simm.s32 @!p0 $0x1C02  }
0x59: {  	[timem:s3], [sflag:s2] =	dma.local @!p0 [hbm:s0], s1  }
0x5a: {  	s0 =	simm.s32 @!p0 $0x2  }
0x5b: {  	_ =	swait.ge @!p0 [sflag:s0], s1  }
0x5c: {  	s1 =	ssub.s32 @!p0 $0x0, s1;
	[sflag:s0] =	ssyncset.done @!p0 $0x0  }
0x5d: {  	[sflag:s0] =	ssyncadd.s32 @!p0 s1  }
0x5e: {  	[bflag:$0x3] =	sbarrier.arrive $0xFFFF  }
0x5f: {  	_ =	shalt  }

</sc_bundles>
